<compile_context>
chip_gen: v7x
topology: tpu7x:2x2x1
jax: 0.10.2.dev20260603
libtpu: 0.0.44.dev20260713+nightly
codegen_flags: <defaults>
</compile_context>

<pallas_src>
import functools

import jax
import jax.numpy as jnp
from jax import lax
from jax.experimental import pallas as pl
from jax.experimental.pallas import tpu as pltpu
from jax.experimental.pallas import tpu_sc as plsc

_HIDDEN = 768
_NP = 8
_B = 4
_S = 2048
_NS = 3
_NW = 32
_TPW = (_B * _S) // _NW
_C = 64
_NCH = _TPW // _C
_NBUF = 2
_ROWS = _NP + _S
_OUT_ROWS = _B * _NS * _ROWS


def _prompt_tc(sp_ref, wm_ref, wv_ref, wl_ref, out_ref):
    dn = (((1,), (1,)), ((), ()))
    sp = sp_ref[...]
    mean = lax.dot_general(sp, wm_ref[...], dn,
                           preferred_element_type=jnp.float32,
                           precision=lax.Precision.HIGHEST)
    logv = lax.dot_general(sp, wv_ref[...], dn,
                           preferred_element_type=jnp.float32,
                           precision=lax.Precision.HIGHEST)
    std = jnp.exp(0.5 * logv)
    for i, sgn in enumerate((-1.0, 0.0, 1.0)):
        z = mean + sgn * std
        out_ref[i * _NP:(i + 1) * _NP, :] = lax.dot_general(
            z, wl_ref[...], dn,
            preferred_element_type=jnp.float32,
            precision=lax.Precision.HIGHEST)


def _patch_tc(src_ref, epp_ref, out_ref, sem):
    del src_ref
    copies = []
    for i in range(_B * _NS):
        copies.append(pltpu.make_async_copy(
            epp_ref.at[pl.ds((i % _NS) * _NP, _NP)],
            out_ref.at[pl.ds(i * _ROWS, _NP)],
            sem))
    for d in copies:
        d.start()
    for d in copies:
        d.wait()


def _sc_body(tok_hbm, wte_hbm, out_hbm, idx_v, *bufs_and_sems):
    bufs = bufs_and_sems[:_NBUF]
    gsems = bufs_and_sems[_NBUF:2 * _NBUF]
    wsems = bufs_and_sems[2 * _NBUF:3 * _NBUF]
    c = lax.axis_index("c")
    s = lax.axis_index("s")
    wid = s * 2 + c
    b = wid // 8
    p = lax.rem(wid, 8)
    pltpu.sync_copy(tok_hbm.at[b, pl.ds(p * _TPW, _TPW)], idx_v)
    g = [None] * _NCH
    w = [[] for _ in range(_NCH)]
    for j in range(_NBUF - 1):
        g[j] = pltpu.async_copy(
            wte_hbm.at[idx_v.at[pl.ds(j * _C, _C)]], bufs[j], gsems[j])
    for j in range(_NCH):
        bj = j % _NBUF
        jn = j + _NBUF - 1
        if jn < _NCH:
            if j >= 1:
                for d in w[j - 1]:
                    d.wait()
            g[jn] = pltpu.async_copy(
                wte_hbm.at[idx_v.at[pl.ds(jn * _C, _C)]],
                bufs[jn % _NBUF], gsems[jn % _NBUF])
        g[j].wait()
        src_base = p * _TPW + j * _C
        for s_i in range(_NS):
            out_base = (b * _NS + s_i) * _ROWS + _NP + src_base
            w[j].append(pltpu.async_copy(
                bufs[bj], out_hbm.at[pl.ds(out_base, _C)], wsems[bj]))
    for j in range(max(0, _NCH - _NBUF), _NCH):
        for d in w[j]:
            d.wait()


_sc_gather = functools.partial(
    pl.kernel,
    mesh=plsc.VectorSubcoreMesh(core_axis_name="c", subcore_axis_name="s"),
    out_type=jax.ShapeDtypeStruct((_OUT_ROWS, _HIDDEN), jnp.float32),
    scratch_types=(
        [pltpu.VMEM((_TPW,), jnp.int32)]
        + [pltpu.VMEM((_C, _HIDDEN), jnp.float32)] * _NBUF
        + [pltpu.SemaphoreType.DMA] * (2 * _NBUF)
    ),
)(_sc_body)


def kernel(tokens, wte_weight, soft_prompt_embeds, W_mean, W_logv, W_l2h):
    epp = pl.pallas_call(
        _prompt_tc,
        out_shape=jax.ShapeDtypeStruct((_NS * _NP, _HIDDEN), jnp.float32),
    )(soft_prompt_embeds, W_mean, W_logv, W_l2h)
    out = _sc_gather(tokens.astype(jnp.int32), wte_weight)
    out = pl.pallas_call(
        _patch_tc,
        in_specs=[
            pl.BlockSpec(memory_space=pl.ANY),
            pl.BlockSpec((_NS * _NP, _HIDDEN), lambda: (0, 0)),
        ],
        out_specs=pl.BlockSpec(memory_space=pl.ANY),
        out_shape=jax.ShapeDtypeStruct((_OUT_ROWS, _HIDDEN), jnp.float32),
        scratch_shapes=[pltpu.SemaphoreType.DMA],
        input_output_aliases={0: 0},
    )(out, epp)
    return out.reshape(_B * _NS, _ROWS, _HIDDEN)

# --- scband reference (transcript-rebuilt; emitter-appended) ---
"""Pipeline reference for scband-soft-embedding-23639499997516 (READ-ONLY COPY).

The authoritative reference and input builder live on the scoring server;
editing this copy changes nothing except your own understanding.
"""

import jax, jax.numpy as jnp
import numpy as np

VOCAB = 100000
HIDDEN = 768
LATENT = 128
N_PROMPTS = 8
BATCH = 4
SEQ = 2048
# eval path requires set_gaussian_n_samples_for_generation(n_side=1):
STD_LIST = [-1, 0, 1]
N_SAMPLES = 3


def setup_inputs(seed: int = 0) -> dict:
    key = jax.random.key(seed)
    k1, k2, k3, k4, k5, k6 = jax.random.split(key, 6)
    tokens = jax.random.randint(k1, (BATCH, SEQ), 0, VOCAB)
    wte_weight = jax.random.normal(k2, (VOCAB, HIDDEN), dtype=jnp.float32) * 0.02
    soft_prompt_embeds = jax.random.normal(k3, (N_PROMPTS, HIDDEN), dtype=jnp.float32)
    W_mean = jax.random.normal(k4, (LATENT, HIDDEN), dtype=jnp.float32) * 0.02
    W_logv = jax.random.normal(k5, (LATENT, HIDDEN), dtype=jnp.float32) * 0.02
    W_l2h = jax.random.normal(k6, (HIDDEN, LATENT), dtype=jnp.float32) * 0.02
    return {"tokens": tokens, "wte_weight": wte_weight, "soft_prompt_embeds": soft_prompt_embeds,
            "W_mean": W_mean, "W_logv": W_logv, "W_l2h": W_l2h}


def reference(tokens, wte_weight, soft_prompt_embeds, W_mean, W_logv, W_l2h):
    # SoftEmbedding.forward, eval path (is_train=False), std_list=[-1,0,1]
    batch_size = tokens.shape[0]
    e_source = jnp.take(wte_weight, tokens, axis=0)            # [B, S, H]
    e_prompt = soft_prompt_embeds[None, :, :]                  # [1, P, H]
    mean = e_prompt @ W_mean.T                                 # [1, P, L]
    logv = e_prompt @ W_logv.T                                 # [1, P, L]
    std = jnp.exp(0.5 * logv)
    z = jnp.concatenate([mean + std * i for i in STD_LIST], axis=0)  # [n_samples, P, L]
    e_prompt_prime = z @ W_l2h.T                               # [n_samples, P, H]
    # torch .repeat(batch_size,1,1) == tile; torch.repeat_interleave == jnp.repeat
    prompt_rep = jnp.tile(e_prompt_prime, (batch_size, 1, 1))  # [n_samples*B, P, H]
    src_rep = jnp.repeat(e_source, N_SAMPLES, axis=0)          # [B*n_samples, S, H]
    e_input = jnp.concatenate([prompt_rep, src_rep], axis=1)   # [B*n_samples, P+S, H]
    return e_input

if __name__ == "__main__":
    import jax
    _d = setup_inputs()
    print(jax.jit(kernel)(*tuple(_d.values())))

</pallas_src>

<mosaic_0001>
#map = affine_map<(d0, d1) -> (0, 0)>
module attributes {stable_mosaic.version = 14 : i64} {
  func.func @_sc_body(%arg0: i32, %arg1: i32, %arg2: memref<4x2048xi32, #tpu.memory_space<hbm>>, %arg3: memref<100000x768xf32, #tpu.memory_space<hbm>>, %arg4: memref<24672x768xf32, #tpu.memory_space<hbm>>, %arg5: memref<256xi32, #tpu.memory_space<vmem>>, %arg6: memref<64x768xf32, #tpu.memory_space<vmem>>, %arg7: memref<64x768xf32, #tpu.memory_space<vmem>>, %arg8: memref<!tpu.dma_semaphore, #tpu.memory_space<semaphore_mem>>, %arg9: memref<!tpu.dma_semaphore, #tpu.memory_space<semaphore_mem>>, %arg10: memref<!tpu.dma_semaphore, #tpu.memory_space<semaphore_mem>>, %arg11: memref<!tpu.dma_semaphore, #tpu.memory_space<semaphore_mem>>) attributes {dimension_semantics = [#tpu.dimension_semantics<core_parallel>, #tpu.dimension_semantics<subcore_parallel>], iteration_bounds = array<i64: 2, 16>, scalar_prefetch = 0 : i64, scratch_operands = 7 : i64, tpu.core_type = #tpu.core_type<sc_vector_subcore>, window_params = [{transform_indices = #map}, {transform_indices = #map}, {transform_indices = #map}]} {
    %mul3A = arith.constant 2 : i32
    %mul3A_0 = arith.muli %arg1, %mul3A : i32
    %add3A = arith.addi %mul3A_0, %arg0 : i32
    %jit3A = arith.constant 8 : i32
    %div3A = arith.divsi %add3A, %jit3A : i32
    %sign3A = arith.constant 0 : i32
    %sign3A_1 = arith.cmpi sgt, %add3A, %sign3A : i32
    %sign3A_2 = arith.extui %sign3A_1 : i1 to i32
    %sign3A_3 = arith.constant 0 : i32
    %sign3A_4 = arith.cmpi slt, %add3A, %sign3A_3 : i32
    %sign3A_5 = arith.extui %sign3A_4 : i1 to i32
    %sign3A_6 = arith.subi %sign3A_2, %sign3A_5 : i32
    %sign3A_7 = arith.constant 0 : i32
    %sign3A_8 = arith.cmpi sgt, %jit3A, %sign3A_7 : i32
    %sign3A_9 = arith.extui %sign3A_8 : i1 to i32
    %sign3A_10 = arith.constant 0 : i32
    %sign3A_11 = arith.cmpi slt, %jit3A, %sign3A_10 : i32
    %sign3A_12 = arith.extui %sign3A_11 : i1 to i32
    %sign3A_13 = arith.subi %sign3A_9, %sign3A_12 : i32
    %ne3A = arith.cmpi ne, %sign3A_6, %sign3A_13 : i32
    %rem3A = arith.remsi %add3A, %jit3A : i32
    %ne3A_14 = arith.constant 0 : i32
    %ne3A_15 = arith.cmpi ne, %rem3A, %ne3A_14 : i32
    %and3A = arith.andi %ne3A, %ne3A_15 : i1
    %sub3A = arith.constant 1 : i32
    %sub3A_16 = arith.subi %div3A, %sub3A : i32
    %select_n3A = arith.select %and3A, %sub3A_16, %div3A : i32
    %rem3A_17 = arith.constant 8 : i32
    %rem3A_18 = arith.remsi %add3A, %rem3A_17 : i32
    %mul3A_19 = arith.constant 256 : i32
    %mul3A_20 = arith.muli %rem3A_18, %mul3A_19 : i32
    "tpu.region"() ({
      %run_scoped3A = tpu.sem_alloc : memref<!tpu.dma_semaphore, #tpu.memory_space<semaphore_mem>>
      %dma_start3A_279 = tpu.memref_slice %arg2[%select_n3A, %mul3A_20] : memref<4x2048xi32, #tpu.memory_space<hbm>> -> memref<1x256xi32, #tpu.memory_space<hbm>>
      %dma_start3A_280 = tpu.memref_squeeze %dma_start3A_279 : memref<1x256xi32, #tpu.memory_space<hbm>> -> memref<256xi32, #tpu.memory_space<hbm>>
      %dma_start3A_281 = tpu.memref_slice %arg2[%select_n3A, %mul3A_20] : memref<4x2048xi32, #tpu.memory_space<hbm>> -> memref<1x256xi32, #tpu.memory_space<hbm>>
      %dma_start3A_282 = tpu.memref_squeeze %dma_start3A_281 : memref<1x256xi32, #tpu.memory_space<hbm>> -> memref<256xi32, #tpu.memory_space<hbm>>
      tpu.enqueue_dma source(%dma_start3A_282 : memref<256xi32, #tpu.memory_space<hbm>>) target(%arg5 : memref<256xi32, #tpu.memory_space<vmem>>) target_semaphore(%run_scoped3A : memref<!tpu.dma_semaphore, #tpu.memory_space<semaphore_mem>>)
      %dma_wait3A_283 = tpu.memref_slice %arg2[%select_n3A, %mul3A_20] : memref<4x2048xi32, #tpu.memory_space<hbm>> -> memref<1x256xi32, #tpu.memory_space<hbm>>
      %dma_wait3A_284 = tpu.memref_squeeze %dma_wait3A_283 : memref<1x256xi32, #tpu.memory_space<hbm>> -> memref<256xi32, #tpu.memory_space<hbm>>
      %dma_wait3A_285 = tpu.memref_slice %arg2[%select_n3A, %mul3A_20] : memref<4x2048xi32, #tpu.memory_space<hbm>> -> memref<1x256xi32, #tpu.memory_space<hbm>>
      %dma_wait3A_286 = tpu.memref_squeeze %dma_wait3A_285 : memref<1x256xi32, #tpu.memory_space<hbm>> -> memref<256xi32, #tpu.memory_space<hbm>>
      tpu.wait_dma2 semaphore(%run_scoped3A : memref<!tpu.dma_semaphore, #tpu.memory_space<semaphore_mem>>) src(%dma_wait3A_286 : memref<256xi32, #tpu.memory_space<hbm>>) dst(%arg5 : memref<256xi32, #tpu.memory_space<vmem>>)
      tpu.yield
    }) : () -> ()
    %dma_start3A = arith.constant 0 : i32
    %dma_start3A_21 = tpu.memref_slice %arg5[%dma_start3A] : memref<256xi32, #tpu.memory_space<vmem>> -> memref<64xi32, #tpu.memory_space<vmem>>
    %dma_start3A_22 = arith.constant 0 : i32
    %dma_start3A_23 = arith.constant 0 : i32
    %dma_start3A_24 = tpu.memref_slice %arg3[%dma_start3A_22, %dma_start3A_23] : memref<100000x768xf32, #tpu.memory_space<hbm>> -> memref<100000x768xf32, #tpu.memory_space<hbm>>
    tpu.enqueue_indirect_dma source(%dma_start3A_24 : memref<100000x768xf32, #tpu.memory_space<hbm>>) target(%arg6 : memref<64x768xf32, #tpu.memory_space<vmem>>) offsets(%dma_start3A_21 : memref<64xi32, #tpu.memory_space<vmem>>) semaphore(%arg8 : memref<!tpu.dma_semaphore, #tpu.memory_space<semaphore_mem>>)
    %dma_start3A_25 = arith.constant 64 : i32
    %dma_start3A_26 = tpu.memref_slice %arg5[%dma_start3A_25] : memref<256xi32, #tpu.memory_space<vmem>> -> memref<64xi32, #tpu.memory_space<vmem>>
    %dma_start3A_27 = arith.constant 0 : i32
    %dma_start3A_28 = arith.constant 0 : i32
    %dma_start3A_29 = tpu.memref_slice %arg3[%dma_start3A_27, %dma_start3A_28] : memref<100000x768xf32, #tpu.memory_space<hbm>> -> memref<100000x768xf32, #tpu.memory_space<hbm>>
    tpu.enqueue_indirect_dma source(%dma_start3A_29 : memref<100000x768xf32, #tpu.memory_space<hbm>>) target(%arg7 : memref<64x768xf32, #tpu.memory_space<vmem>>) offsets(%dma_start3A_26 : memref<64xi32, #tpu.memory_space<vmem>>) semaphore(%arg9 : memref<!tpu.dma_semaphore, #tpu.memory_space<semaphore_mem>>)
    %dma_wait3A = arith.constant 0 : i32
    %dma_wait3A_30 = tpu.memref_slice %arg5[%dma_wait3A] : memref<256xi32, #tpu.memory_space<vmem>> -> memref<64xi32, #tpu.memory_space<vmem>>
    %dma_wait3A_31 = arith.constant 0 : i32
    %dma_wait3A_32 = arith.constant 0 : i32
    %dma_wait3A_33 = tpu.memref_slice %arg3[%dma_wait3A_31, %dma_wait3A_32] : memref<100000x768xf32, #tpu.memory_space<hbm>> -> memref<100000x768xf32, #tpu.memory_space<hbm>>
    tpu.wait_indirect_dma semaphore(%arg8 : memref<!tpu.dma_semaphore, #tpu.memory_space<semaphore_mem>>) src(%dma_wait3A_33 : memref<100000x768xf32, #tpu.memory_space<hbm>>) dst(%arg6 : memref<64x768xf32, #tpu.memory_space<vmem>>)
    %mul3A_34 = arith.constant 256 : i32
    %mul3A_35 = arith.muli %rem3A_18, %mul3A_34 : i32
    %add3A_36 = arith.constant 0 : i32
    %add3A_37 = arith.addi %mul3A_35, %add3A_36 : i32
    %mul3A_38 = arith.constant 3 : i32
    %mul3A_39 = arith.muli %select_n3A, %mul3A_38 : i32
    %add3A_40 = arith.constant 0 : i32
    %add3A_41 = arith.addi %mul3A_39, %add3A_40 : i32
    %mul3A_42 = arith.constant 2056 : i32
    %mul3A_43 = arith.muli %add3A_41, %mul3A_42 : i32
    %add3A_44 = arith.constant 8 : i32
    %add3A_45 = arith.addi %mul3A_43, %add3A_44 : i32
    %add3A_46 = arith.addi %add3A_45, %add3A_37 : i32
    %dma_start3A_47 = arith.constant 0 : i32
    %dma_start3A_48 = tpu.memref_slice %arg4[%add3A_46, %dma_start3A_47] : memref<24672x768xf32, #tpu.memory_space<hbm>> -> memref<64x768xf32, #tpu.memory_space<hbm>>
    %dma_start3A_49 = arith.constant 0 : i32
    %dma_start3A_50 = tpu.memref_slice %arg4[%add3A_46, %dma_start3A_49] : memref<24672x768xf32, #tpu.memory_space<hbm>> -> memref<64x768xf32, #tpu.memory_space<hbm>>
    tpu.enqueue_dma source(%arg6 : memref<64x768xf32, #tpu.memory_space<vmem>>) target(%dma_start3A_50 : memref<64x768xf32, #tpu.memory_space<hbm>>) target_semaphore(%arg10 : memref<!tpu.dma_semaphore, #tpu.memory_space<semaphore_mem>>)
    %mul3A_51 = arith.constant 3 : i32
    %mul3A_52 = arith.muli %select_n3A, %mul3A_51 : i32
    %add3A_53 = arith.constant 1 : i32
    %add3A_54 = arith.addi %mul3A_52, %add3A_53 : i32
    %mul3A_55 = arith.constant 2056 : i32
    %mul3A_56 = arith.muli %add3A_54, %mul3A_55 : i32
    %add3A_57 = arith.constant 8 : i32
    %add3A_58 = arith.addi %mul3A_56, %add3A_57 : i32
    %add3A_59 = arith.addi %add3A_58, %add3A_37 : i32
    %dma_start3A_60 = arith.constant 0 : i32
    %dma_start3A_61 = tpu.memref_slice %arg4[%add3A_59, %dma_start3A_60] : memref<24672x768xf32, #tpu.memory_space<hbm>> -> memref<64x768xf32, #tpu.memory_space<hbm>>
    %dma_start3A_62 = arith.constant 0 : i32
    %dma_start3A_63 = tpu.memref_slice %arg4[%add3A_59, %dma_start3A_62] : memref<24672x768xf32, #tpu.memory_space<hbm>> -> memref<64x768xf32, #tpu.memory_space<hbm>>
    tpu.enqueue_dma source(%arg6 : memref<64x768xf32, #tpu.memory_space<vmem>>) target(%dma_start3A_63 : memref<64x768xf32, #tpu.memory_space<hbm>>) target_semaphore(%arg10 : memref<!tpu.dma_semaphore, #tpu.memory_space<semaphore_mem>>)
    %mul3A_64 = arith.constant 3 : i32
    %mul3A_65 = arith.muli %select_n3A, %mul3A_64 : i32
    %add3A_66 = arith.constant 2 : i32
    %add3A_67 = arith.addi %mul3A_65, %add3A_66 : i32
    %mul3A_68 = arith.constant 2056 : i32
    %mul3A_69 = arith.muli %add3A_67, %mul3A_68 : i32
    %add3A_70 = arith.constant 8 : i32
    %add3A_71 = arith.addi %mul3A_69, %add3A_70 : i32
    %add3A_72 = arith.addi %add3A_71, %add3A_37 : i32
    %dma_start3A_73 = arith.constant 0 : i32
    %dma_start3A_74 = tpu.memref_slice %arg4[%add3A_72, %dma_start3A_73] : memref<24672x768xf32, #tpu.memory_space<hbm>> -> memref<64x768xf32, #tpu.memory_space<hbm>>
    %dma_start3A_75 = arith.constant 0 : i32
    %dma_start3A_76 = tpu.memref_slice %arg4[%add3A_72, %dma_start3A_75] : memref<24672x768xf32, #tpu.memory_space<hbm>> -> memref<64x768xf32, #tpu.memory_space<hbm>>
    tpu.enqueue_dma source(%arg6 : memref<64x768xf32, #tpu.memory_space<vmem>>) target(%dma_start3A_76 : memref<64x768xf32, #tpu.memory_space<hbm>>) target_semaphore(%arg10 : memref<!tpu.dma_semaphore, #tpu.memory_space<semaphore_mem>>)
    %dma_wait3A_77 = arith.constant 0 : i32
    %dma_wait3A_78 = tpu.memref_slice %arg4[%add3A_46, %dma_wait3A_77] : memref<24672x768xf32, #tpu.memory_space<hbm>> -> memref<64x768xf32, #tpu.memory_space<hbm>>
    %dma_wait3A_79 = arith.constant 0 : i32
    %dma_wait3A_80 = tpu.memref_slice %arg4[%add3A_46, %dma_wait3A_79] : memref<24672x768xf32, #tpu.memory_space<hbm>> -> memref<64x768xf32, #tpu.memory_space<hbm>>
    tpu.wait_dma2 semaphore(%arg10 : memref<!tpu.dma_semaphore, #tpu.memory_space<semaphore_mem>>) src(%arg6 : memref<64x768xf32, #tpu.memory_space<vmem>>) dst(%dma_wait3A_80 : memref<64x768xf32, #tpu.memory_space<hbm>>)
    %dma_wait3A_81 = arith.constant 0 : i32
    %dma_wait3A_82 = tpu.memref_slice %arg4[%add3A_59, %dma_wait3A_81] : memref<24672x768xf32, #tpu.memory_space<hbm>> -> memref<64x768xf32, #tpu.memory_space<hbm>>
    %dma_wait3A_83 = arith.constant 0 : i32
    %dma_wait3A_84 = tpu.memref_slice %arg4[%add3A_59, %dma_wait3A_83] : memref<24672x768xf32, #tpu.memory_space<hbm>> -> memref<64x768xf32, #tpu.memory_space<hbm>>
    tpu.wait_dma2 semaphore(%arg10 : memref<!tpu.dma_semaphore, #tpu.memory_space<semaphore_mem>>) src(%arg6 : memref<64x768xf32, #tpu.memory_space<vmem>>) dst(%dma_wait3A_84 : memref<64x768xf32, #tpu.memory_space<hbm>>)
    %dma_wait3A_85 = arith.constant 0 : i32
    %dma_wait3A_86 = tpu.memref_slice %arg4[%add3A_72, %dma_wait3A_85] : memref<24672x768xf32, #tpu.memory_space<hbm>> -> memref<64x768xf32, #tpu.memory_space<hbm>>
    %dma_wait3A_87 = arith.constant 0 : i32
    %dma_wait3A_88 = tpu.memref_slice %arg4[%add3A_72, %dma_wait3A_87] : memref<24672x768xf32, #tpu.memory_space<hbm>> -> memref<64x768xf32, #tpu.memory_space<hbm>>
    tpu.wait_dma2 semaphore(%arg10 : memref<!tpu.dma_semaphore, #tpu.memory_space<semaphore_mem>>) src(%arg6 : memref<64x768xf32, #tpu.memory_space<vmem>>) dst(%dma_wait3A_88 : memref<64x768xf32, #tpu.memory_space<hbm>>)
    %dma_start3A_89 = arith.constant 128 : i32
    %dma_start3A_90 = tpu.memref_slice %arg5[%dma_start3A_89] : memref<256xi32, #tpu.memory_space<vmem>> -> memref<64xi32, #tpu.memory_space<vmem>>
    %dma_start3A_91 = arith.constant 0 : i32
    %dma_start3A_92 = arith.constant 0 : i32
    %dma_start3A_93 = tpu.memref_slice %arg3[%dma_start3A_91, %dma_start3A_92] : memref<100000x768xf32, #tpu.memory_space<hbm>> -> memref<100000x768xf32, #tpu.memory_space<hbm>>
    tpu.enqueue_indirect_dma source(%dma_start3A_93 : memref<100000x768xf32, #tpu.memory_space<hbm>>) target(%arg6 : memref<64x768xf32, #tpu.memory_space<vmem>>) offsets(%dma_start3A_90 : memref<64xi32, #tpu.memory_space<vmem>>) semaphore(%arg8 : memref<!tpu.dma_semaphore, #tpu.memory_space<semaphore_mem>>)
    %dma_wait3A_94 = arith.constant 64 : i32
    %dma_wait3A_95 = tpu.memref_slice %arg5[%dma_wait3A_94] : memref<256xi32, #tpu.memory_space<vmem>> -> memref<64xi32, #tpu.memory_space<vmem>>
    %dma_wait3A_96 = arith.constant 0 : i32
    %dma_wait3A_97 = arith.constant 0 : i32
    %dma_wait3A_98 = tpu.memref_slice %arg3[%dma_wait3A_96, %dma_wait3A_97] : memref<100000x768xf32, #tpu.memory_space<hbm>> -> memref<100000x768xf32, #tpu.memory_space<hbm>>
    tpu.wait_indirect_dma semaphore(%arg9 : memref<!tpu.dma_semaphore, #tpu.memory_space<semaphore_mem>>) src(%dma_wait3A_98 : memref<100000x768xf32, #tpu.memory_space<hbm>>) dst(%arg7 : memref<64x768xf32, #tpu.memory_space<vmem>>)
    %mul3A_99 = arith.constant 256 : i32
    %mul3A_100 = arith.muli %rem3A_18, %mul3A_99 : i32
    %add3A_101 = arith.constant 64 : i32
    %add3A_102 = arith.addi %mul3A_100, %add3A_101 : i32
    %mul3A_103 = arith.constant 3 : i32
    %mul3A_104 = arith.muli %select_n3A, %mul3A_103 : i32
    %add3A_105 = arith.constant 0 : i32
    %add3A_106 = arith.addi %mul3A_104, %add3A_105 : i32
    %mul3A_107 = arith.constant 2056 : i32
    %mul3A_108 = arith.muli %add3A_106, %mul3A_107 : i32
    %add3A_109 = arith.constant 8 : i32
    %add3A_110 = arith.addi %mul3A_108, %add3A_109 : i32
    %add3A_111 = arith.addi %add3A_110, %add3A_102 : i32
    %dma_start3A_112 = arith.constant 0 : i32
    %dma_start3A_113 = tpu.memref_slice %arg4[%add3A_111, %dma_start3A_112] : memref<24672x768xf32, #tpu.memory_space<hbm>> -> memref<64x768xf32, #tpu.memory_space<hbm>>
    %dma_start3A_114 = arith.constant 0 : i32
    %dma_start3A_115 = tpu.memref_slice %arg4[%add3A_111, %dma_start3A_114] : memref<24672x768xf32, #tpu.memory_space<hbm>> -> memref<64x768xf32, #tpu.memory_space<hbm>>
    tpu.enqueue_dma source(%arg7 : memref<64x768xf32, #tpu.memory_space<vmem>>) target(%dma_start3A_115 : memref<64x768xf32, #tpu.memory_space<hbm>>) target_semaphore(%arg11 : memref<!tpu.dma_semaphore, #tpu.memory_space<semaphore_mem>>)
    %mul3A_116 = arith.constant 3 : i32
    %mul3A_117 = arith.muli %select_n3A, %mul3A_116 : i32
    %add3A_118 = arith.constant 1 : i32
    %add3A_119 = arith.addi %mul3A_117, %add3A_118 : i32
    %mul3A_120 = arith.constant 2056 : i32
    %mul3A_121 = arith.muli %add3A_119, %mul3A_120 : i32
    %add3A_122 = arith.constant 8 : i32
    %add3A_123 = arith.addi %mul3A_121, %add3A_122 : i32
    %add3A_124 = arith.addi %add3A_123, %add3A_102 : i32
    %dma_start3A_125 = arith.constant 0 : i32
    %dma_start3A_126 = tpu.memref_slice %arg4[%add3A_124, %dma_start3A_125] : memref<24672x768xf32, #tpu.memory_space<hbm>> -> memref<64x768xf32, #tpu.memory_space<hbm>>
    %dma_start3A_127 = arith.constant 0 : i32
    %dma_start3A_128 = tpu.memref_slice %arg4[%add3A_124, %dma_start3A_127] : memref<24672x768xf32, #tpu.memory_space<hbm>> -> memref<64x768xf32, #tpu.memory_space<hbm>>
    tpu.enqueue_dma source(%arg7 : memref<64x768xf32, #tpu.memory_space<vmem>>) target(%dma_start3A_128 : memref<64x768xf32, #tpu.memory_space<hbm>>) target_semaphore(%arg11 : memref<!tpu.dma_semaphore, #tpu.memory_space<semaphore_mem>>)
    %mul3A_129 = arith.constant 3 : i32
    %mul3A_130 = arith.muli %select_n3A, %mul3A_129 : i32
    %add3A_131 = arith.constant 2 : i32
    %add3A_132 = arith.addi %mul3A_130, %add3A_131 : i32
    %mul3A_133 = arith.constant 2056 : i32
    %mul3A_134 = arith.muli %add3A_132, %mul3A_133 : i32
    %add3A_135 = arith.constant 8 : i32
    %add3A_136 = arith.addi %mul3A_134, %add3A_135 : i32
    %add3A_137 = arith.addi %add3A_136, %add3A_102 : i32
    %dma_start3A_138 = arith.constant 0 : i32
    %dma_start3A_139 = tpu.memref_slice %arg4[%add3A_137, %dma_start3A_138] : memref<24672x768xf32, #tpu.memory_space<hbm>> -> memref<64x768xf32, #tpu.memory_space<hbm>>
    %dma_start3A_140 = arith.constant 0 : i32
    %dma_start3A_141 = tpu.memref_slice %arg4[%add3A_137, %dma_start3A_140] : memref<24672x768xf32, #tpu.memory_space<hbm>> -> memref<64x768xf32, #tpu.memory_space<hbm>>
    tpu.enqueue_dma source(%arg7 : memref<64x768xf32, #tpu.memory_space<vmem>>) target(%dma_start3A_141 : memref<64x768xf32, #tpu.memory_space<hbm>>) target_semaphore(%arg11 : memref<!tpu.dma_semaphore, #tpu.memory_space<semaphore_mem>>)
    %dma_wait3A_142 = arith.constant 0 : i32
    %dma_wait3A_143 = tpu.memref_slice %arg4[%add3A_111, %dma_wait3A_142] : memref<24672x768xf32, #tpu.memory_space<hbm>> -> memref<64x768xf32, #tpu.memory_space<hbm>>
    %dma_wait3A_144 = arith.constant 0 : i32
    %dma_wait3A_145 = tpu.memref_slice %arg4[%add3A_111, %dma_wait3A_144] : memref<24672x768xf32, #tpu.memory_space<hbm>> -> memref<64x768xf32, #tpu.memory_space<hbm>>
    tpu.wait_dma2 semaphore(%arg11 : memref<!tpu.dma_semaphore, #tpu.memory_space<semaphore_mem>>) src(%arg7 : memref<64x768xf32, #tpu.memory_space<vmem>>) dst(%dma_wait3A_145 : memref<64x768xf32, #tpu.memory_space<hbm>>)
    %dma_wait3A_146 = arith.constant 0 : i32
    %dma_wait3A_147 = tpu.memref_slice %arg4[%add3A_124, %dma_wait3A_146] : memref<24672x768xf32, #tpu.memory_space<hbm>> -> memref<64x768xf32, #tpu.memory_space<hbm>>
    %dma_wait3A_148 = arith.constant 0 : i32
    %dma_wait3A_149 = tpu.memref_slice %arg4[%add3A_124, %dma_wait3A_148] : memref<24672x768xf32, #tpu.memory_space<hbm>> -> memref<64x768xf32, #tpu.memory_space<hbm>>
    tpu.wait_dma2 semaphore(%arg11 : memref<!tpu.dma_semaphore, #tpu.memory_space<semaphore_mem>>) src(%arg7 : memref<64x768xf32, #tpu.memory_space<vmem>>) dst(%dma_wait3A_149 : memref<64x768xf32, #tpu.memory_space<hbm>>)
    %dma_wait3A_150 = arith.constant 0 : i32
    %dma_wait3A_151 = tpu.memref_slice %arg4[%add3A_137, %dma_wait3A_150] : memref<24672x768xf32, #tpu.memory_space<hbm>> -> memref<64x768xf32, #tpu.memory_space<hbm>>
    %dma_wait3A_152 = arith.constant 0 : i32
    %dma_wait3A_153 = tpu.memref_slice %arg4[%add3A_137, %dma_wait3A_152] : memref<24672x768xf32, #tpu.memory_space<hbm>> -> memref<64x768xf32, #tpu.memory_space<hbm>>
    tpu.wait_dma2 semaphore(%arg11 : memref<!tpu.dma_semaphore, #tpu.memory_space<semaphore_mem>>) src(%arg7 : memref<64x768xf32, #tpu.memory_space<vmem>>) dst(%dma_wait3A_153 : memref<64x768xf32, #tpu.memory_space<hbm>>)
    %dma_start3A_154 = arith.constant 192 : i32
    %dma_start3A_155 = tpu.memref_slice %arg5[%dma_start3A_154] : memref<256xi32, #tpu.memory_space<vmem>> -> memref<64xi32, #tpu.memory_space<vmem>>
    %dma_start3A_156 = arith.constant 0 : i32
    %dma_start3A_157 = arith.constant 0 : i32
    %dma_start3A_158 = tpu.memref_slice %arg3[%dma_start3A_156, %dma_start3A_157] : memref<100000x768xf32, #tpu.memory_space<hbm>> -> memref<100000x768xf32, #tpu.memory_space<hbm>>
    tpu.enqueue_indirect_dma source(%dma_start3A_158 : memref<100000x768xf32, #tpu.memory_space<hbm>>) target(%arg7 : memref<64x768xf32, #tpu.memory_space<vmem>>) offsets(%dma_start3A_155 : memref<64xi32, #tpu.memory_space<vmem>>) semaphore(%arg9 : memref<!tpu.dma_semaphore, #tpu.memory_space<semaphore_mem>>)
    %dma_wait3A_159 = arith.constant 128 : i32
    %dma_wait3A_160 = tpu.memref_slice %arg5[%dma_wait3A_159] : memref<256xi32, #tpu.memory_space<vmem>> -> memref<64xi32, #tpu.memory_space<vmem>>
    %dma_wait3A_161 = arith.constant 0 : i32
    %dma_wait3A_162 = arith.constant 0 : i32
    %dma_wait3A_163 = tpu.memref_slice %arg3[%dma_wait3A_161, %dma_wait3A_162] : memref<100000x768xf32, #tpu.memory_space<hbm>> -> memref<100000x768xf32, #tpu.memory_space<hbm>>
    tpu.wait_indirect_dma semaphore(%arg8 : memref<!tpu.dma_semaphore, #tpu.memory_space<semaphore_mem>>) src(%dma_wait3A_163 : memref<100000x768xf32, #tpu.memory_space<hbm>>) dst(%arg6 : memref<64x768xf32, #tpu.memory_space<vmem>>)
    %mul3A_164 = arith.constant 256 : i32
    %mul3A_165 = arith.muli %rem3A_18, %mul3A_164 : i32
    %add3A_166 = arith.constant 128 : i32
    %add3A_167 = arith.addi %mul3A_165, %add3A_166 : i32
    %mul3A_168 = arith.constant 3 : i32
    %mul3A_169 = arith.muli %select_n3A, %mul3A_168 : i32
    %add3A_170 = arith.constant 0 : i32
    %add3A_171 = arith.addi %mul3A_169, %add3A_170 : i32
    %mul3A_172 = arith.constant 2056 : i32
    %mul3A_173 = arith.muli %add3A_171, %mul3A_172 : i32
    %add3A_174 = arith.constant 8 : i32
    %add3A_175 = arith.addi %mul3A_173, %add3A_174 : i32
    %add3A_176 = arith.addi %add3A_175, %add3A_167 : i32
    %dma_start3A_177 = arith.constant 0 : i32
    %dma_start3A_178 = tpu.memref_slice %arg4[%add3A_176, %dma_start3A_177] : memref<24672x768xf32, #tpu.memory_space<hbm>> -> memref<64x768xf32, #tpu.memory_space<hbm>>
    %dma_start3A_179 = arith.constant 0 : i32
    %dma_start3A_180 = tpu.memref_slice %arg4[%add3A_176, %dma_start3A_179] : memref<24672x768xf32, #tpu.memory_space<hbm>> -> memref<64x768xf32, #tpu.memory_space<hbm>>
    tpu.enqueue_dma source(%arg6 : memref<64x768xf32, #tpu.memory_space<vmem>>) target(%dma_start3A_180 : memref<64x768xf32, #tpu.memory_space<hbm>>) target_semaphore(%arg10 : memref<!tpu.dma_semaphore, #tpu.memory_space<semaphore_mem>>)
    %mul3A_181 = arith.constant 3 : i32
    %mul3A_182 = arith.muli %select_n3A, %mul3A_181 : i32
    %add3A_183 = arith.constant 1 : i32
    %add3A_184 = arith.addi %mul3A_182, %add3A_183 : i32
    %mul3A_185 = arith.constant 2056 : i32
    %mul3A_186 = arith.muli %add3A_184, %mul3A_185 : i32
    %add3A_187 = arith.constant 8 : i32
    %add3A_188 = arith.addi %mul3A_186, %add3A_187 : i32
    %add3A_189 = arith.addi %add3A_188, %add3A_167 : i32
    %dma_start3A_190 = arith.constant 0 : i32
    %dma_start3A_191 = tpu.memref_slice %arg4[%add3A_189, %dma_start3A_190] : memref<24672x768xf32, #tpu.memory_space<hbm>> -> memref<64x768xf32, #tpu.memory_space<hbm>>
    %dma_start3A_192 = arith.constant 0 : i32
    %dma_start3A_193 = tpu.memref_slice %arg4[%add3A_189, %dma_start3A_192] : memref<24672x768xf32, #tpu.memory_space<hbm>> -> memref<64x768xf32, #tpu.memory_space<hbm>>
    tpu.enqueue_dma source(%arg6 : memref<64x768xf32, #tpu.memory_space<vmem>>) target(%dma_start3A_193 : memref<64x768xf32, #tpu.memory_space<hbm>>) target_semaphore(%arg10 : memref<!tpu.dma_semaphore, #tpu.memory_space<semaphore_mem>>)
    %mul3A_194 = arith.constant 3 : i32
    %mul3A_195 = arith.muli %select_n3A, %mul3A_194 : i32
    %add3A_196 = arith.constant 2 : i32
    %add3A_197 = arith.addi %mul3A_195, %add3A_196 : i32
    %mul3A_198 = arith.constant 2056 : i32
    %mul3A_199 = arith.muli %add3A_197, %mul3A_198 : i32
    %add3A_200 = arith.constant 8 : i32
    %add3A_201 = arith.addi %mul3A_199, %add3A_200 : i32
    %add3A_202 = arith.addi %add3A_201, %add3A_167 : i32
    %dma_start3A_203 = arith.constant 0 : i32
    %dma_start3A_204 = tpu.memref_slice %arg4[%add3A_202, %dma_start3A_203] : memref<24672x768xf32, #tpu.memory_space<hbm>> -> memref<64x768xf32, #tpu.memory_space<hbm>>
    %dma_start3A_205 = arith.constant 0 : i32
    %dma_start3A_206 = tpu.memref_slice %arg4[%add3A_202, %dma_start3A_205] : memref<24672x768xf32, #tpu.memory_space<hbm>> -> memref<64x768xf32, #tpu.memory_space<hbm>>
    tpu.enqueue_dma source(%arg6 : memref<64x768xf32, #tpu.memory_space<vmem>>) target(%dma_start3A_206 : memref<64x768xf32, #tpu.memory_space<hbm>>) target_semaphore(%arg10 : memref<!tpu.dma_semaphore, #tpu.memory_space<semaphore_mem>>)
    %dma_wait3A_207 = arith.constant 192 : i32
    %dma_wait3A_208 = tpu.memref_slice %arg5[%dma_wait3A_207] : memref<256xi32, #tpu.memory_space<vmem>> -> memref<64xi32, #tpu.memory_space<vmem>>
    %dma_wait3A_209 = arith.constant 0 : i32
    %dma_wait3A_210 = arith.constant 0 : i32
    %dma_wait3A_211 = tpu.memref_slice %arg3[%dma_wait3A_209, %dma_wait3A_210] : memref<100000x768xf32, #tpu.memory_space<hbm>> -> memref<100000x768xf32, #tpu.memory_space<hbm>>
    tpu.wait_indirect_dma semaphore(%arg9 : memref<!tpu.dma_semaphore, #tpu.memory_space<semaphore_mem>>) src(%dma_wait3A_211 : memref<100000x768xf32, #tpu.memory_space<hbm>>) dst(%arg7 : memref<64x768xf32, #tpu.memory_space<vmem>>)
    %mul3A_212 = arith.constant 256 : i32
    %mul3A_213 = arith.muli %rem3A_18, %mul3A_212 : i32
    %add3A_214 = arith.constant 192 : i32
    %add3A_215 = arith.addi %mul3A_213, %add3A_214 : i32
    %mul3A_216 = arith.constant 3 : i32
    %mul3A_217 = arith.muli %select_n3A, %mul3A_216 : i32
    %add3A_218 = arith.constant 0 : i32
    %add3A_219 = arith.addi %mul3A_217, %add3A_218 : i32
    %mul3A_220 = arith.constant 2056 : i32
    %mul3A_221 = arith.muli %add3A_219, %mul3A_220 : i32
    %add3A_222 = arith.constant 8 : i32
    %add3A_223 = arith.addi %mul3A_221, %add3A_222 : i32
    %add3A_224 = arith.addi %add3A_223, %add3A_215 : i32
    %dma_start3A_225 = arith.constant 0 : i32
    %dma_start3A_226 = tpu.memref_slice %arg4[%add3A_224, %dma_start3A_225] : memref<24672x768xf32, #tpu.memory_space<hbm>> -> memref<64x768xf32, #tpu.memory_space<hbm>>
    %dma_start3A_227 = arith.constant 0 : i32
    %dma_start3A_228 = tpu.memref_slice %arg4[%add3A_224, %dma_start3A_227] : memref<24672x768xf32, #tpu.memory_space<hbm>> -> memref<64x768xf32, #tpu.memory_space<hbm>>
    tpu.enqueue_dma source(%arg7 : memref<64x768xf32, #tpu.memory_space<vmem>>) target(%dma_start3A_228 : memref<64x768xf32, #tpu.memory_space<hbm>>) target_semaphore(%arg11 : memref<!tpu.dma_semaphore, #tpu.memory_space<semaphore_mem>>)
    %mul3A_229 = arith.constant 3 : i32
    %mul3A_230 = arith.muli %select_n3A, %mul3A_229 : i32
    %add3A_231 = arith.constant 1 : i32
    %add3A_232 = arith.addi %mul3A_230, %add3A_231 : i32
    %mul3A_233 = arith.constant 2056 : i32
    %mul3A_234 = arith.muli %add3A_232, %mul3A_233 : i32
    %add3A_235 = arith.constant 8 : i32
    %add3A_236 = arith.addi %mul3A_234, %add3A_235 : i32
    %add3A_237 = arith.addi %add3A_236, %add3A_215 : i32
    %dma_start3A_238 = arith.constant 0 : i32
    %dma_start3A_239 = tpu.memref_slice %arg4[%add3A_237, %dma_start3A_238] : memref<24672x768xf32, #tpu.memory_space<hbm>> -> memref<64x768xf32, #tpu.memory_space<hbm>>
    %dma_start3A_240 = arith.constant 0 : i32
    %dma_start3A_241 = tpu.memref_slice %arg4[%add3A_237, %dma_start3A_240] : memref<24672x768xf32, #tpu.memory_space<hbm>> -> memref<64x768xf32, #tpu.memory_space<hbm>>
    tpu.enqueue_dma source(%arg7 : memref<64x768xf32, #tpu.memory_space<vmem>>) target(%dma_start3A_241 : memref<64x768xf32, #tpu.memory_space<hbm>>) target_semaphore(%arg11 : memref<!tpu.dma_semaphore, #tpu.memory_space<semaphore_mem>>)
    %mul3A_242 = arith.constant 3 : i32
    %mul3A_243 = arith.muli %select_n3A, %mul3A_242 : i32
    %add3A_244 = arith.constant 2 : i32
    %add3A_245 = arith.addi %mul3A_243, %add3A_244 : i32
    %mul3A_246 = arith.constant 2056 : i32
    %mul3A_247 = arith.muli %add3A_245, %mul3A_246 : i32
    %add3A_248 = arith.constant 8 : i32
    %add3A_249 = arith.addi %mul3A_247, %add3A_248 : i32
    %add3A_250 = arith.addi %add3A_249, %add3A_215 : i32
    %dma_start3A_251 = arith.constant 0 : i32
    %dma_start3A_252 = tpu.memref_slice %arg4[%add3A_250, %dma_start3A_251] : memref<24672x768xf32, #tpu.memory_space<hbm>> -> memref<64x768xf32, #tpu.memory_space<hbm>>
    %dma_start3A_253 = arith.constant 0 : i32
    %dma_start3A_254 = tpu.memref_slice %arg4[%add3A_250, %dma_start3A_253] : memref<24672x768xf32, #tpu.memory_space<hbm>> -> memref<64x768xf32, #tpu.memory_space<hbm>>
    tpu.enqueue_dma source(%arg7 : memref<64x768xf32, #tpu.memory_space<vmem>>) target(%dma_start3A_254 : memref<64x768xf32, #tpu.memory_space<hbm>>) target_semaphore(%arg11 : memref<!tpu.dma_semaphore, #tpu.memory_space<semaphore_mem>>)
    %dma_wait3A_255 = arith.constant 0 : i32
    %dma_wait3A_256 = tpu.memref_slice %arg4[%add3A_176, %dma_wait3A_255] : memref<24672x768xf32, #tpu.memory_space<hbm>> -> memref<64x768xf32, #tpu.memory_space<hbm>>
    %dma_wait3A_257 = arith.constant 0 : i32
    %dma_wait3A_258 = tpu.memref_slice %arg4[%add3A_176, %dma_wait3A_257] : memref<24672x768xf32, #tpu.memory_space<hbm>> -> memref<64x768xf32, #tpu.memory_space<hbm>>
    tpu.wait_dma2 semaphore(%arg10 : memref<!tpu.dma_semaphore, #tpu.memory_space<semaphore_mem>>) src(%arg6 : memref<64x768xf32, #tpu.memory_space<vmem>>) dst(%dma_wait3A_258 : memref<64x768xf32, #tpu.memory_space<hbm>>)
    %dma_wait3A_259 = arith.constant 0 : i32
    %dma_wait3A_260 = tpu.memref_slice %arg4[%add3A_189, %dma_wait3A_259] : memref<24672x768xf32, #tpu.memory_space<hbm>> -> memref<64x768xf32, #tpu.memory_space<hbm>>
    %dma_wait3A_261 = arith.constant 0 : i32
    %dma_wait3A_262 = tpu.memref_slice %arg4[%add3A_189, %dma_wait3A_261] : memref<24672x768xf32, #tpu.memory_space<hbm>> -> memref<64x768xf32, #tpu.memory_space<hbm>>
    tpu.wait_dma2 semaphore(%arg10 : memref<!tpu.dma_semaphore, #tpu.memory_space<semaphore_mem>>) src(%arg6 : memref<64x768xf32, #tpu.memory_space<vmem>>) dst(%dma_wait3A_262 : memref<64x768xf32, #tpu.memory_space<hbm>>)
    %dma_wait3A_263 = arith.constant 0 : i32
    %dma_wait3A_264 = tpu.memref_slice %arg4[%add3A_202, %dma_wait3A_263] : memref<24672x768xf32, #tpu.memory_space<hbm>> -> memref<64x768xf32, #tpu.memory_space<hbm>>
    %dma_wait3A_265 = arith.constant 0 : i32
    %dma_wait3A_266 = tpu.memref_slice %arg4[%add3A_202, %dma_wait3A_265] : memref<24672x768xf32, #tpu.memory_space<hbm>> -> memref<64x768xf32, #tpu.memory_space<hbm>>
    tpu.wait_dma2 semaphore(%arg10 : memref<!tpu.dma_semaphore, #tpu.memory_space<semaphore_mem>>) src(%arg6 : memref<64x768xf32, #tpu.memory_space<vmem>>) dst(%dma_wait3A_266 : memref<64x768xf32, #tpu.memory_space<hbm>>)
    %dma_wait3A_267 = arith.constant 0 : i32
    %dma_wait3A_268 = tpu.memref_slice %arg4[%add3A_224, %dma_wait3A_267] : memref<24672x768xf32, #tpu.memory_space<hbm>> -> memref<64x768xf32, #tpu.memory_space<hbm>>
    %dma_wait3A_269 = arith.constant 0 : i32
    %dma_wait3A_270 = tpu.memref_slice %arg4[%add3A_224, %dma_wait3A_269] : memref<24672x768xf32, #tpu.memory_space<hbm>> -> memref<64x768xf32, #tpu.memory_space<hbm>>
    tpu.wait_dma2 semaphore(%arg11 : memref<!tpu.dma_semaphore, #tpu.memory_space<semaphore_mem>>) src(%arg7 : memref<64x768xf32, #tpu.memory_space<vmem>>) dst(%dma_wait3A_270 : memref<64x768xf32, #tpu.memory_space<hbm>>)
    %dma_wait3A_271 = arith.constant 0 : i32
    %dma_wait3A_272 = tpu.memref_slice %arg4[%add3A_237, %dma_wait3A_271] : memref<24672x768xf32, #tpu.memory_space<hbm>> -> memref<64x768xf32, #tpu.memory_space<hbm>>
    %dma_wait3A_273 = arith.constant 0 : i32
    %dma_wait3A_274 = tpu.memref_slice %arg4[%add3A_237, %dma_wait3A_273] : memref<24672x768xf32, #tpu.memory_space<hbm>> -> memref<64x768xf32, #tpu.memory_space<hbm>>
    tpu.wait_dma2 semaphore(%arg11 : memref<!tpu.dma_semaphore, #tpu.memory_space<semaphore_mem>>) src(%arg7 : memref<64x768xf32, #tpu.memory_space<vmem>>) dst(%dma_wait3A_274 : memref<64x768xf32, #tpu.memory_space<hbm>>)
    %dma_wait3A_275 = arith.constant 0 : i32
    %dma_wait3A_276 = tpu.memref_slice %arg4[%add3A_250, %dma_wait3A_275] : memref<24672x768xf32, #tpu.memory_space<hbm>> -> memref<64x768xf32, #tpu.memory_space<hbm>>
    %dma_wait3A_277 = arith.constant 0 : i32
    %dma_wait3A_278 = tpu.memref_slice %arg4[%add3A_250, %dma_wait3A_277] : memref<24672x768xf32, #tpu.memory_space<hbm>> -> memref<64x768xf32, #tpu.memory_space<hbm>>
    tpu.wait_dma2 semaphore(%arg11 : memref<!tpu.dma_semaphore, #tpu.memory_space<semaphore_mem>>) src(%arg7 : memref<64x768xf32, #tpu.memory_space<vmem>>) dst(%dma_wait3A_278 : memref<64x768xf32, #tpu.memory_space<hbm>>)
    return
  }
}

module attributes {stable_mosaic.version = 14 : i64} {
  func.func @_prompt_tc(%arg0: memref<8x768xf32, #tpu.memory_space<vmem>>, %arg1: memref<128x768xf32, #tpu.memory_space<vmem>>, %arg2: memref<128x768xf32, #tpu.memory_space<vmem>>, %arg3: memref<768x128xf32, #tpu.memory_space<vmem>>, %arg4: memref<24x768xf32, #tpu.memory_space<vmem>>) attributes {dimension_semantics = [], scalar_prefetch = 0 : i64, scratch_operands = 0 : i64, tpu.core_type = #tpu.core_type<tc>} {
    %get3A = arith.constant 0 : index
    %get3A_0 = arith.constant 0 : index
    %get3A_1 = vector.load %arg0[%get3A, %get3A_0] : memref<8x768xf32, #tpu.memory_space<vmem>>, vector<8x768xf32>
    %get3A_2 = arith.constant 0 : index
    %get3A_3 = arith.constant 0 : index
    %get3A_4 = vector.load %arg1[%get3A_2, %get3A_3] : memref<128x768xf32, #tpu.memory_space<vmem>>, vector<128x768xf32>
    %dot_general3A = arith.constant dense<0.000000e+00> : vector<8x128xf32>
    %dot_general3A_5 = tpu.matmul %get3A_1, %get3A_4, %dot_general3A {dimension_numbers = #tpu.dot_dimension_numbers<[1], [1], [0], [0], [0, 0, 1, 0], [], []>, precision = #tpu.contract_precision<fp32>, transpose_lhs_hint = false} : vector<8x768xf32>, vector<128x768xf32>, vector<8x128xf32> -> vector<8x128xf32>
    %get3A_6 = arith.constant 0 : index
    %get3A_7 = arith.constant 0 : index
    %get3A_8 = vector.load %arg2[%get3A_6, %get3A_7] : memref<128x768xf32, #tpu.memory_space<vmem>>, vector<128x768xf32>
    %dot_general3A_9 = arith.constant dense<0.000000e+00> : vector<8x128xf32>
    %dot_general3A_10 = tpu.matmul %get3A_1, %get3A_8, %dot_general3A_9 {dimension_numbers = #tpu.dot_dimension_numbers<[1], [1], [0], [0], [0, 0, 1, 0], [], []>, precision = #tpu.contract_precision<fp32>, transpose_lhs_hint = false} : vector<8x768xf32>, vector<128x768xf32>, vector<8x128xf32> -> vector<8x128xf32>
    %mul3A = arith.constant 5.000000e-01 : f32
    %mul3A_11 = vector.broadcast %mul3A : f32 to vector<8x128xf32>
    %mul3A_12 = arith.mulf %mul3A_11, %dot_general3A_10 : vector<8x128xf32>
    %exp3A = math.exp %mul3A_12 : vector<8x128xf32>
    %mul3A_13 = arith.constant -1.000000e+00 : f32
    %mul3A_14 = vector.broadcast %mul3A_13 : f32 to vector<8x128xf32>
    %mul3A_15 = arith.mulf %mul3A_14, %exp3A : vector<8x128xf32>
    %add3A = arith.addf %dot_general3A_5, %mul3A_15 : vector<8x128xf32>
    %get3A_16 = arith.constant 0 : index
    %get3A_17 = arith.constant 0 : index
    %get3A_18 = vector.load %arg3[%get3A_16, %get3A_17] : memref<768x128xf32, #tpu.memory_space<vmem>>, vector<768x128xf32>
    %dot_general3A_19 = arith.constant dense<0.000000e+00> : vector<8x768xf32>
    %dot_general3A_20 = tpu.matmul %add3A, %get3A_18, %dot_general3A_19 {dimension_numbers = #tpu.dot_dimension_numbers<[1], [1], [0], [0], [0, 0, 1, 0], [], []>, precision = #tpu.contract_precision<fp32>, transpose_lhs_hint = false} : vector<8x128xf32>, vector<768x128xf32>, vector<8x768xf32> -> vector<8x768xf32>
    %swap3A = arith.constant 0 : index
    %swap3A_21 = arith.constant 0 : index
    %swap3A_22 = vector.load %arg4[%swap3A, %swap3A_21] : memref<24x768xf32, #tpu.memory_space<vmem>>, vector<8x768xf32>
    tpu.vector_store %arg4[%swap3A, %swap3A_21], %dot_general3A_20 {strides = array<i32>} : memref<24x768xf32, #tpu.memory_space<vmem>>, vector<8x768xf32>,
    %mul3A_23 = arith.constant 0.000000e+00 : f32
    %mul3A_24 = vector.broadcast %mul3A_23 : f32 to vector<8x128xf32>
    %mul3A_25 = arith.mulf %mul3A_24, %exp3A : vector<8x128xf32>
    %add3A_26 = arith.addf %dot_general3A_5, %mul3A_25 : vector<8x128xf32>
    %get3A_27 = arith.constant 0 : index
    %get3A_28 = arith.constant 0 : index
    %get3A_29 = vector.load %arg3[%get3A_27, %get3A_28] : memref<768x128xf32, #tpu.memory_space<vmem>>, vector<768x128xf32>
    %dot_general3A_30 = arith.constant dense<0.000000e+00> : vector<8x768xf32>
    %dot_general3A_31 = tpu.matmul %add3A_26, %get3A_29, %dot_general3A_30 {dimension_numbers = #tpu.dot_dimension_numbers<[1], [1], [0], [0], [0, 0, 1, 0], [], []>, precision = #tpu.contract_precision<fp32>, transpose_lhs_hint = false} : vector<8x128xf32>, vector<768x128xf32>, vector<8x768xf32> -> vector<8x768xf32>
    %swap3A_32 = arith.constant 8 : index
    %swap3A_33 = arith.constant 0 : index
    %swap3A_34 = vector.load %arg4[%swap3A_32, %swap3A_33] : memref<24x768xf32, #tpu.memory_space<vmem>>, vector<8x768xf32>
    tpu.vector_store %arg4[%swap3A_32, %swap3A_33], %dot_general3A_31 {strides = array<i32>} : memref<24x768xf32, #tpu.memory_space<vmem>>, vector<8x768xf32>,
    %mul3A_35 = arith.constant 1.000000e+00 : f32
    %mul3A_36 = vector.broadcast %mul3A_35 : f32 to vector<8x128xf32>
    %mul3A_37 = arith.mulf %mul3A_36, %exp3A : vector<8x128xf32>
    %add3A_38 = arith.addf %dot_general3A_5, %mul3A_37 : vector<8x128xf32>
    %get3A_39 = arith.constant 0 : index
    %get3A_40 = arith.constant 0 : index
    %get3A_41 = vector.load %arg3[%get3A_39, %get3A_40] : memref<768x128xf32, #tpu.memory_space<vmem>>, vector<768x128xf32>
    %dot_general3A_42 = arith.constant dense<0.000000e+00> : vector<8x768xf32>
    %dot_general3A_43 = tpu.matmul %add3A_38, %get3A_41, %dot_general3A_42 {dimension_numbers = #tpu.dot_dimension_numbers<[1], [1], [0], [0], [0, 0, 1, 0], [], []>, precision = #tpu.contract_precision<fp32>, transpose_lhs_hint = false} : vector<8x128xf32>, vector<768x128xf32>, vector<8x768xf32> -> vector<8x768xf32>
    %swap3A_44 = arith.constant 16 : index
    %swap3A_45 = arith.constant 0 : index
    %swap3A_46 = vector.load %arg4[%swap3A_44, %swap3A_45] : memref<24x768xf32, #tpu.memory_space<vmem>>, vector<8x768xf32>
    tpu.vector_store %arg4[%swap3A_44, %swap3A_45], %dot_general3A_43 {strides = array<i32>} : memref<24x768xf32, #tpu.memory_space<vmem>>, vector<8x768xf32>,
    return
  }
}

module attributes {stable_mosaic.version = 14 : i64} {
  func.func @_patch_tc(%arg0: memref<24672x768xf32, #tpu.memory_space<any>>, %arg1: memref<24x768xf32, #tpu.memory_space<vmem>>, %arg2: memref<24672x768xf32, #tpu.memory_space<any>>, %arg3: memref<!tpu.dma_semaphore, #tpu.memory_space<semaphore_mem>>) attributes {dimension_semantics = [], scalar_prefetch = 0 : i64, scratch_operands = 1 : i64, tpu.core_type = #tpu.core_type<tc>} {
    %dma_start3A = arith.constant 0 : i32
    %dma_start3A_0 = arith.constant 0 : i32
    %dma_start3A_1 = tpu.memref_slice %arg2[%dma_start3A, %dma_start3A_0] : memref<24672x768xf32, #tpu.memory_space<any>> -> memref<8x768xf32, #tpu.memory_space<any>>
    %dma_start3A_2 = arith.constant 0 : i32
    %dma_start3A_3 = arith.constant 0 : i32
    %dma_start3A_4 = tpu.memref_slice %arg1[%dma_start3A_2, %dma_start3A_3] : memref<24x768xf32, #tpu.memory_space<vmem>> -> memref<8x768xf32, #tpu.memory_space<vmem>>
    tpu.enqueue_dma source(%dma_start3A_4 : memref<8x768xf32, #tpu.memory_space<vmem>>) target(%dma_start3A_1 : memref<8x768xf32, #tpu.memory_space<any>>) target_semaphore(%arg3 : memref<!tpu.dma_semaphore, #tpu.memory_space<semaphore_mem>>)
    %dma_start3A_5 = arith.constant 2056 : i32
    %dma_start3A_6 = arith.constant 0 : i32
    %dma_start3A_7 = tpu.memref_slice %arg2[%dma_start3A_5, %dma_start3A_6] : memref<24672x768xf32, #tpu.memory_space<any>> -> memref<8x768xf32, #tpu.memory_space<any>>
    %dma_start3A_8 = arith.constant 8 : i32
    %dma_start3A_9 = arith.constant 0 : i32
    %dma_start3A_10 = tpu.memref_slice %arg1[%dma_start3A_8, %dma_start3A_9] : memref<24x768xf32, #tpu.memory_space<vmem>> -> memref<8x768xf32, #tpu.memory_space<vmem>>
    tpu.enqueue_dma source(%dma_start3A_10 : memref<8x768xf32, #tpu.memory_space<vmem>>) target(%dma_start3A_7 : memref<8x768xf32, #tpu.memory_space<any>>) target_semaphore(%arg3 : memref<!tpu.dma_semaphore, #tpu.memory_space<semaphore_mem>>)
    %dma_start3A_11 = arith.constant 4112 : i32
    %dma_start3A_12 = arith.constant 0 : i32
    %dma_start3A_13 = tpu.memref_slice %arg2[%dma_start3A_11, %dma_start3A_12] : memref<24672x768xf32, #tpu.memory_space<any>> -> memref<8x768xf32, #tpu.memory_space<any>>
    %dma_start3A_14 = arith.constant 16 : i32
    %dma_start3A_15 = arith.constant 0 : i32
    %dma_start3A_16 = tpu.memref_slice %arg1[%dma_start3A_14, %dma_start3A_15] : memref<24x768xf32, #tpu.memory_space<vmem>> -> memref<8x768xf32, #tpu.memory_space<vmem>>
    tpu.enqueue_dma source(%dma_start3A_16 : memref<8x768xf32, #tpu.memory_space<vmem>>) target(%dma_start3A_13 : memref<8x768xf32, #tpu.memory_space<any>>) target_semaphore(%arg3 : memref<!tpu.dma_semaphore, #tpu.memory_space<semaphore_mem>>)
    %dma_start3A_17 = arith.constant 6168 : i32
    %dma_start3A_18 = arith.constant 0 : i32
    %dma_start3A_19 = tpu.memref_slice %arg2[%dma_start3A_17, %dma_start3A_18] : memref<24672x768xf32, #tpu.memory_space<any>> -> memref<8x768xf32, #tpu.memory_space<any>>
    %dma_start3A_20 = arith.constant 0 : i32
    %dma_start3A_21 = arith.constant 0 : i32
    %dma_start3A_22 = tpu.memref_slice %arg1[%dma_start3A_20, %dma_start3A_21] : memref<24x768xf32, #tpu.memory_space<vmem>> -> memref<8x768xf32, #tpu.memory_space<vmem>>
    tpu.enqueue_dma source(%dma_start3A_22 : memref<8x768xf32, #tpu.memory_space<vmem>>) target(%dma_start3A_19 : memref<8x768xf32, #tpu.memory_space<any>>) target_semaphore(%arg3 : memref<!tpu.dma_semaphore, #tpu.memory_space<semaphore_mem>>)
    %dma_start3A_23 = arith.constant 8224 : i32
    %dma_start3A_24 = arith.constant 0 : i32
    %dma_start3A_25 = tpu.memref_slice %arg2[%dma_start3A_23, %dma_start3A_24] : memref<24672x768xf32, #tpu.memory_space<any>> -> memref<8x768xf32, #tpu.memory_space<any>>
    %dma_start3A_26 = arith.constant 8 : i32
    %dma_start3A_27 = arith.constant 0 : i32
    %dma_start3A_28 = tpu.memref_slice %arg1[%dma_start3A_26, %dma_start3A_27] : memref<24x768xf32, #tpu.memory_space<vmem>> -> memref<8x768xf32, #tpu.memory_space<vmem>>
    tpu.enqueue_dma source(%dma_start3A_28 : memref<8x768xf32, #tpu.memory_space<vmem>>) target(%dma_start3A_25 : memref<8x768xf32, #tpu.memory_space<any>>) target_semaphore(%arg3 : memref<!tpu.dma_semaphore, #tpu.memory_space<semaphore_mem>>)
    %dma_start3A_29 = arith.constant 10280 : i32
    %dma_start3A_30 = arith.constant 0 : i32
    %dma_start3A_31 = tpu.memref_slice %arg2[%dma_start3A_29, %dma_start3A_30] : memref<24672x768xf32, #tpu.memory_space<any>> -> memref<8x768xf32, #tpu.memory_space<any>>
    %dma_start3A_32 = arith.constant 16 : i32
    %dma_start3A_33 = arith.constant 0 : i32
    %dma_start3A_34 = tpu.memref_slice %arg1[%dma_start3A_32, %dma_start3A_33] : memref<24x768xf32, #tpu.memory_space<vmem>> -> memref<8x768xf32, #tpu.memory_space<vmem>>
    tpu.enqueue_dma source(%dma_start3A_34 : memref<8x768xf32, #tpu.memory_space<vmem>>) target(%dma_start3A_31 : memref<8x768xf32, #tpu.memory_space<any>>) target_semaphore(%arg3 : memref<!tpu.dma_semaphore, #tpu.memory_space<semaphore_mem>>)
    %dma_start3A_35 = arith.constant 12336 : i32
    %dma_start3A_36 = arith.constant 0 : i32
    %dma_start3A_37 = tpu.memref_slice %arg2[%dma_start3A_35, %dma_start3A_36] : memref<24672x768xf32, #tpu.memory_space<any>> -> memref<8x768xf32, #tpu.memory_space<any>>
    %dma_start3A_38 = arith.constant 0 : i32
    %dma_start3A_39 = arith.constant 0 : i32
    %dma_start3A_40 = tpu.memref_slice %arg1[%dma_start3A_38, %dma_start3A_39] : memref<24x768xf32, #tpu.memory_space<vmem>> -> memref<8x768xf32, #tpu.memory_space<vmem>>
    tpu.enqueue_dma source(%dma_start3A_40 : memref<8x768xf32, #tpu.memory_space<vmem>>) target(%dma_start3A_37 : memref<8x768xf32, #tpu.memory_space<any>>) target_semaphore(%arg3 : memref<!tpu.dma_semaphore, #tpu.memory_space<semaphore_mem>>)
    %dma_start3A_41 = arith.constant 14392 : i32
    %dma_start3A_42 = arith.constant 0 : i32
    %dma_start3A_43 = tpu.memref_slice %arg2[%dma_start3A_41, %dma_start3A_42] : memref<24672x768xf32, #tpu.memory_space<any>> -> memref<8x768xf32, #tpu.memory_space<any>>
    %dma_start3A_44 = arith.constant 8 : i32
    %dma_start3A_45 = arith.constant 0 : i32
    %dma_start3A_46 = tpu.memref_slice %arg1[%dma_start3A_44, %dma_start3A_45] : memref<24x768xf32, #tpu.memory_space<vmem>> -> memref<8x768xf32, #tpu.memory_space<vmem>>
    tpu.enqueue_dma source(%dma_start3A_46 : memref<8x768xf32, #tpu.memory_space<vmem>>) target(%dma_start3A_43 : memref<8x768xf32, #tpu.memory_space<any>>) target_semaphore(%arg3 : memref<!tpu.dma_semaphore, #tpu.memory_space<semaphore_mem>>)
    %dma_start3A_47 = arith.constant 16448 : i32
    %dma_start3A_48 = arith.constant 0 : i32
    %dma_start3A_49 = tpu.memref_slice %arg2[%dma_start3A_47, %dma_start3A_48] : memref<24672x768xf32, #tpu.memory_space<any>> -> memref<8x768xf32, #tpu.memory_space<any>>
    %dma_start3A_50 = arith.constant 16 : i32
    %dma_start3A_51 = arith.constant 0 : i32
    %dma_start3A_52 = tpu.memref_slice %arg1[%dma_start3A_50, %dma_start3A_51] : memref<24x768xf32, #tpu.memory_space<vmem>> -> memref<8x768xf32, #tpu.memory_space<vmem>>
    tpu.enqueue_dma source(%dma_start3A_52 : memref<8x768xf32, #tpu.memory_space<vmem>>) target(%dma_start3A_49 : memref<8x768xf32, #tpu.memory_space<any>>) target_semaphore(%arg3 : memref<!tpu.dma_semaphore, #tpu.memory_space<semaphore_mem>>)
    %dma_start3A_53 = arith.constant 18504 : i32
    %dma_start3A_54 = arith.constant 0 : i32
    %dma_start3A_55 = tpu.memref_slice %arg2[%dma_start3A_53, %dma_start3A_54] : memref<24672x768xf32, #tpu.memory_space<any>> -> memref<8x768xf32, #tpu.memory_space<any>>
    %dma_start3A_56 = arith.constant 0 : i32
    %dma_start3A_57 = arith.constant 0 : i32
    %dma_start3A_58 = tpu.memref_slice %arg1[%dma_start3A_56, %dma_start3A_57] : memref<24x768xf32, #tpu.memory_space<vmem>> -> memref<8x768xf32, #tpu.memory_space<vmem>>
    tpu.enqueue_dma source(%dma_start3A_58 : memref<8x768xf32, #tpu.memory_space<vmem>>) target(%dma_start3A_55 : memref<8x768xf32, #tpu.memory_space<any>>) target_semaphore(%arg3 : memref<!tpu.dma_semaphore, #tpu.memory_space<semaphore_mem>>)
    %dma_start3A_59 = arith.constant 20560 : i32
    %dma_start3A_60 = arith.constant 0 : i32
    %dma_start3A_61 = tpu.memref_slice %arg2[%dma_start3A_59, %dma_start3A_60] : memref<24672x768xf32, #tpu.memory_space<any>> -> memref<8x768xf32, #tpu.memory_space<any>>
    %dma_start3A_62 = arith.constant 8 : i32
    %dma_start3A_63 = arith.constant 0 : i32
    %dma_start3A_64 = tpu.memref_slice %arg1[%dma_start3A_62, %dma_start3A_63] : memref<24x768xf32, #tpu.memory_space<vmem>> -> memref<8x768xf32, #tpu.memory_space<vmem>>
    tpu.enqueue_dma source(%dma_start3A_64 : memref<8x768xf32, #tpu.memory_space<vmem>>) target(%dma_start3A_61 : memref<8x768xf32, #tpu.memory_space<any>>) target_semaphore(%arg3 : memref<!tpu.dma_semaphore, #tpu.memory_space<semaphore_mem>>)
    %dma_start3A_65 = arith.constant 22616 : i32
    %dma_start3A_66 = arith.constant 0 : i32
    %dma_start3A_67 = tpu.memref_slice %arg2[%dma_start3A_65, %dma_start3A_66] : memref<24672x768xf32, #tpu.memory_space<any>> -> memref<8x768xf32, #tpu.memory_space<any>>
    %dma_start3A_68 = arith.constant 16 : i32
    %dma_start3A_69 = arith.constant 0 : i32
    %dma_start3A_70 = tpu.memref_slice %arg1[%dma_start3A_68, %dma_start3A_69] : memref<24x768xf32, #tpu.memory_space<vmem>> -> memref<8x768xf32, #tpu.memory_space<vmem>>
    tpu.enqueue_dma source(%dma_start3A_70 : memref<8x768xf32, #tpu.memory_space<vmem>>) target(%dma_start3A_67 : memref<8x768xf32, #tpu.memory_space<any>>) target_semaphore(%arg3 : memref<!tpu.dma_semaphore, #tpu.memory_space<semaphore_mem>>)
    %dma_wait3A = arith.constant 0 : i32
    %dma_wait3A_71 = arith.constant 0 : i32
    %dma_wait3A_72 = tpu.memref_slice %arg2[%dma_wait3A, %dma_wait3A_71] : memref<24672x768xf32, #tpu.memory_space<any>> -> memref<8x768xf32, #tpu.memory_space<any>>
    %dma_wait3A_73 = arith.constant 0 : i32
    %dma_wait3A_74 = arith.constant 0 : i32
    %dma_wait3A_75 = tpu.memref_slice %arg1[%dma_wait3A_73, %dma_wait3A_74] : memref<24x768xf32, #tpu.memory_space<vmem>> -> memref<8x768xf32, #tpu.memory_space<vmem>>
    tpu.wait_dma2 semaphore(%arg3 : memref<!tpu.dma_semaphore, #tpu.memory_space<semaphore_mem>>) src(%dma_wait3A_75 : memref<8x768xf32, #tpu.memory_space<vmem>>) dst(%dma_wait3A_72 : memref<8x768xf32, #tpu.memory_space<any>>)
    %dma_wait3A_76 = arith.constant 2056 : i32
    %dma_wait3A_77 = arith.constant 0 : i32
    %dma_wait3A_78 = tpu.memref_slice %arg2[%dma_wait3A_76, %dma_wait3A_77] : memref<24672x768xf32, #tpu.memory_space<any>> -> memref<8x768xf32, #tpu.memory_space<any>>
    %dma_wait3A_79 = arith.constant 8 : i32
    %dma_wait3A_80 = arith.constant 0 : i32
    %dma_wait3A_81 = tpu.memref_slice %arg1[%dma_wait3A_79, %dma_wait3A_80] : memref<24x768xf32, #tpu.memory_space<vmem>> -> memref<8x768xf32, #tpu.memory_space<vmem>>
    tpu.wait_dma2 semaphore(%arg3 : memref<!tpu.dma_semaphore, #tpu.memory_space<semaphore_mem>>) src(%dma_wait3A_81 : memref<8x768xf32, #tpu.memory_space<vmem>>) dst(%dma_wait3A_78 : memref<8x768xf32, #tpu.memory_space<any>>)
    %dma_wait3A_82 = arith.constant 4112 : i32
    %dma_wait3A_83 = arith.constant 0 : i32
    %dma_wait3A_84 = tpu.memref_slice %arg2[%dma_wait3A_82, %dma_wait3A_83] : memref<24672x768xf32, #tpu.memory_space<any>> -> memref<8x768xf32, #tpu.memory_space<any>>
    %dma_wait3A_85 = arith.constant 16 : i32
    %dma_wait3A_86 = arith.constant 0 : i32
    %dma_wait3A_87 = tpu.memref_slice %arg1[%dma_wait3A_85, %dma_wait3A_86] : memref<24x768xf32, #tpu.memory_space<vmem>> -> memref<8x768xf32, #tpu.memory_space<vmem>>
    tpu.wait_dma2 semaphore(%arg3 : memref<!tpu.dma_semaphore, #tpu.memory_space<semaphore_mem>>) src(%dma_wait3A_87 : memref<8x768xf32, #tpu.memory_space<vmem>>) dst(%dma_wait3A_84 : memref<8x768xf32, #tpu.memory_space<any>>)
    %dma_wait3A_88 = arith.constant 6168 : i32
    %dma_wait3A_89 = arith.constant 0 : i32
    %dma_wait3A_90 = tpu.memref_slice %arg2[%dma_wait3A_88, %dma_wait3A_89] : memref<24672x768xf32, #tpu.memory_space<any>> -> memref<8x768xf32, #tpu.memory_space<any>>
    %dma_wait3A_91 = arith.constant 0 : i32
    %dma_wait3A_92 = arith.constant 0 : i32
    %dma_wait3A_93 = tpu.memref_slice %arg1[%dma_wait3A_91, %dma_wait3A_92] : memref<24x768xf32, #tpu.memory_space<vmem>> -> memref<8x768xf32, #tpu.memory_space<vmem>>
    tpu.wait_dma2 semaphore(%arg3 : memref<!tpu.dma_semaphore, #tpu.memory_space<semaphore_mem>>) src(%dma_wait3A_93 : memref<8x768xf32, #tpu.memory_space<vmem>>) dst(%dma_wait3A_90 : memref<8x768xf32, #tpu.memory_space<any>>)
    %dma_wait3A_94 = arith.constant 8224 : i32
    %dma_wait3A_95 = arith.constant 0 : i32
    %dma_wait3A_96 = tpu.memref_slice %arg2[%dma_wait3A_94, %dma_wait3A_95] : memref<24672x768xf32, #tpu.memory_space<any>> -> memref<8x768xf32, #tpu.memory_space<any>>
    %dma_wait3A_97 = arith.constant 8 : i32
    %dma_wait3A_98 = arith.constant 0 : i32
    %dma_wait3A_99 = tpu.memref_slice %arg1[%dma_wait3A_97, %dma_wait3A_98] : memref<24x768xf32, #tpu.memory_space<vmem>> -> memref<8x768xf32, #tpu.memory_space<vmem>>
    tpu.wait_dma2 semaphore(%arg3 : memref<!tpu.dma_semaphore, #tpu.memory_space<semaphore_mem>>) src(%dma_wait3A_99 : memref<8x768xf32, #tpu.memory_space<vmem>>) dst(%dma_wait3A_96 : memref<8x768xf32, #tpu.memory_space<any>>)
    %dma_wait3A_100 = arith.constant 10280 : i32
    %dma_wait3A_101 = arith.constant 0 : i32
    %dma_wait3A_102 = tpu.memref_slice %arg2[%dma_wait3A_100, %dma_wait3A_101] : memref<24672x768xf32, #tpu.memory_space<any>> -> memref<8x768xf32, #tpu.memory_space<any>>
    %dma_wait3A_103 = arith.constant 16 : i32
    %dma_wait3A_104 = arith.constant 0 : i32
    %dma_wait3A_105 = tpu.memref_slice %arg1[%dma_wait3A_103, %dma_wait3A_104] : memref<24x768xf32, #tpu.memory_space<vmem>> -> memref<8x768xf32, #tpu.memory_space<vmem>>
    tpu.wait_dma2 semaphore(%arg3 : memref<!tpu.dma_semaphore, #tpu.memory_space<semaphore_mem>>) src(%dma_wait3A_105 : memref<8x768xf32, #tpu.memory_space<vmem>>) dst(%dma_wait3A_102 : memref<8x768xf32, #tpu.memory_space<any>>)
    %dma_wait3A_106 = arith.constant 12336 : i32
    %dma_wait3A_107 = arith.constant 0 : i32
    %dma_wait3A_108 = tpu.memref_slice %arg2[%dma_wait3A_106, %dma_wait3A_107] : memref<24672x768xf32, #tpu.memory_space<any>> -> memref<8x768xf32, #tpu.memory_space<any>>
    %dma_wait3A_109 = arith.constant 0 : i32
    %dma_wait3A_110 = arith.constant 0 : i32
    %dma_wait3A_111 = tpu.memref_slice %arg1[%dma_wait3A_109, %dma_wait3A_110] : memref<24x768xf32, #tpu.memory_space<vmem>> -> memref<8x768xf32, #tpu.memory_space<vmem>>
    tpu.wait_dma2 semaphore(%arg3 : memref<!tpu.dma_semaphore, #tpu.memory_space<semaphore_mem>>) src(%dma_wait3A_111 : memref<8x768xf32, #tpu.memory_space<vmem>>) dst(%dma_wait3A_108 : memref<8x768xf32, #tpu.memory_space<any>>)
    %dma_wait3A_112 = arith.constant 14392 : i32
    %dma_wait3A_113 = arith.constant 0 : i32
    %dma_wait3A_114 = tpu.memref_slice %arg2[%dma_wait3A_112, %dma_wait3A_113] : memref<24672x768xf32, #tpu.memory_space<any>> -> memref<8x768xf32, #tpu.memory_space<any>>
    %dma_wait3A_115 = arith.constant 8 : i32
    %dma_wait3A_116 = arith.constant 0 : i32
    %dma_wait3A_117 = tpu.memref_slice %arg1[%dma_wait3A_115, %dma_wait3A_116] : memref<24x768xf32, #tpu.memory_space<vmem>> -> memref<8x768xf32, #tpu.memory_space<vmem>>
    tpu.wait_dma2 semaphore(%arg3 : memref<!tpu.dma_semaphore, #tpu.memory_space<semaphore_mem>>) src(%dma_wait3A_117 : memref<8x768xf32, #tpu.memory_space<vmem>>) dst(%dma_wait3A_114 : memref<8x768xf32, #tpu.memory_space<any>>)
    %dma_wait3A_118 = arith.constant 16448 : i32
    %dma_wait3A_119 = arith.constant 0 : i32
    %dma_wait3A_120 = tpu.memref_slice %arg2[%dma_wait3A_118, %dma_wait3A_119] : memref<24672x768xf32, #tpu.memory_space<any>> -> memref<8x768xf32, #tpu.memory_space<any>>
    %dma_wait3A_121 = arith.constant 16 : i32
    %dma_wait3A_122 = arith.constant 0 : i32
    %dma_wait3A_123 = tpu.memref_slice %arg1[%dma_wait3A_121, %dma_wait3A_122] : memref<24x768xf32, #tpu.memory_space<vmem>> -> memref<8x768xf32, #tpu.memory_space<vmem>>
    tpu.wait_dma2 semaphore(%arg3 : memref<!tpu.dma_semaphore, #tpu.memory_space<semaphore_mem>>) src(%dma_wait3A_123 : memref<8x768xf32, #tpu.memory_space<vmem>>) dst(%dma_wait3A_120 : memref<8x768xf32, #tpu.memory_space<any>>)
    %dma_wait3A_124 = arith.constant 18504 : i32
    %dma_wait3A_125 = arith.constant 0 : i32
    %dma_wait3A_126 = tpu.memref_slice %arg2[%dma_wait3A_124, %dma_wait3A_125] : memref<24672x768xf32, #tpu.memory_space<any>> -> memref<8x768xf32, #tpu.memory_space<any>>
    %dma_wait3A_127 = arith.constant 0 : i32
    %dma_wait3A_128 = arith.constant 0 : i32
    %dma_wait3A_129 = tpu.memref_slice %arg1[%dma_wait3A_127, %dma_wait3A_128] : memref<24x768xf32, #tpu.memory_space<vmem>> -> memref<8x768xf32, #tpu.memory_space<vmem>>
    tpu.wait_dma2 semaphore(%arg3 : memref<!tpu.dma_semaphore, #tpu.memory_space<semaphore_mem>>) src(%dma_wait3A_129 : memref<8x768xf32, #tpu.memory_space<vmem>>) dst(%dma_wait3A_126 : memref<8x768xf32, #tpu.memory_space<any>>)
    %dma_wait3A_130 = arith.constant 20560 : i32
    %dma_wait3A_131 = arith.constant 0 : i32
    %dma_wait3A_132 = tpu.memref_slice %arg2[%dma_wait3A_130, %dma_wait3A_131] : memref<24672x768xf32, #tpu.memory_space<any>> -> memref<8x768xf32, #tpu.memory_space<any>>
    %dma_wait3A_133 = arith.constant 8 : i32
    %dma_wait3A_134 = arith.constant 0 : i32
    %dma_wait3A_135 = tpu.memref_slice %arg1[%dma_wait3A_133, %dma_wait3A_134] : memref<24x768xf32, #tpu.memory_space<vmem>> -> memref<8x768xf32, #tpu.memory_space<vmem>>
    tpu.wait_dma2 semaphore(%arg3 : memref<!tpu.dma_semaphore, #tpu.memory_space<semaphore_mem>>) src(%dma_wait3A_135 : memref<8x768xf32, #tpu.memory_space<vmem>>) dst(%dma_wait3A_132 : memref<8x768xf32, #tpu.memory_space<any>>)
    %dma_wait3A_136 = arith.constant 22616 : i32
    %dma_wait3A_137 = arith.constant 0 : i32
    %dma_wait3A_138 = tpu.memref_slice %arg2[%dma_wait3A_136, %dma_wait3A_137] : memref<24672x768xf32, #tpu.memory_space<any>> -> memref<8x768xf32, #tpu.memory_space<any>>
    %dma_wait3A_139 = arith.constant 16 : i32
    %dma_wait3A_140 = arith.constant 0 : i32
    %dma_wait3A_141 = tpu.memref_slice %arg1[%dma_wait3A_139, %dma_wait3A_140] : memref<24x768xf32, #tpu.memory_space<vmem>> -> memref<8x768xf32, #tpu.memory_space<vmem>>
    tpu.wait_dma2 semaphore(%arg3 : memref<!tpu.dma_semaphore, #tpu.memory_space<semaphore_mem>>) src(%dma_wait3A_141 : memref<8x768xf32, #tpu.memory_space<vmem>>) dst(%dma_wait3A_138 : memref<8x768xf32, #tpu.memory_space<any>>)
    return
  }
}

</mosaic_0001>

<sc_bundles>
// kernel: kernel.5.cloned.1.call-start
scs
__scs_entry_jumppad:
0x0: {  	(pc) =	sbr.rel $0x88, $3  }
0x1: {  	(tag) =	ssettag $0x0;
	lr =	simm.s32 $0x1  }
0x2: {  	[smem:$0x3F9B] =	sst lr;
	_ =	strace $0xD0000000  }
0x3: {  	_ = 	snop  }
0x4: {  	_ = 	snop  }
0x5: {  	_ = 	snop  }
0x6: {  	_ = 	snop  }
0x7: {  	_ = 	snop  }
__scs_overlays_trampoline_lowered:
0x8: {  	[smem:$0x3FAA] =	sst s0  }
0x9: {  	[smem:$0x3FAB] =	sst s1  }
0xa: {  	[smem:$0x3FAC] =	sst s2  }
0xb: {  	[smem:$0x3FAD] =	sst s3  }
0xc: {  	[smem:$0x3FAE] =	sst s4  }
0xd: {  	[smem:$0x3FAF] =	sst s5  }
0xe: {  	[smem:$0x3FB0] =	sst s6  }
0xf: {  	[smem:$0x3FB1] =	sst s7  }
0x10: {  	[smem:$0x3FB2] =	sst s8  }
0x11: {  	[smem:$0x3FB3] =	sst s9;
	s0 =	simm.s32 @!p0 $0x0  }
0x12: {  	s1 =	sld [smem:$0x3F99];
	s0 =	simm.s32 @p0 $0x1  }
0x13: {  	[smem:$0x3FB4] =	sst s0;
	s0 =	simm.s32 @!p1 $0x0  }
0x14: {  	s2 =	sld [smem:$0x3F98];
	s0 =	simm.s32 @p1 $0x1  }
0x15: {  	[smem:$0x3FB5] =	sst s0;
	s0 =	simm.s32 @!p2 $0x0  }
0x16: {  	s3 =	sld [smem:$0x3FDB];
	s0 =	simm.s32 @p2 $0x1  }
0x17: {  	s4 =	simm.s32 $0x1BF5;
	[smem:$0x3FB7] =	sst s0  }
0x18: {  	s0 =	sld [smem:$0x3F9A];
	_ =	swait.ge [sflag:s4], $0x0  }
0x19: {  	s7 =	sld [smem:$0x3F9B]  }
0x1a: {  	s8 =	sadd.s32 $0xFFFFE003, lr  }
0x1b: {  	s9 =	sadd.s32 $0xFFFFFEF7, lr;
	s5 =	simm.s32 $0xFFFFFFFF;
	p2 =	slt.u32 s8, $0xFFFFF086  }
0x1c: {  	p1 =	slt.u32 s9, $0xF7A;
	s5 =	simm.s32 @!p2 $0x0  }
0x1d: {  	s5 =	simm.s32 @p1 $0x1;
	p0 =	seq.s32 s7, s2  }
0x1e: {  	s7 =	smul.u32 @!p0 $0xF7A, s2;
	p2 =	seq.s32 @!p0 s5, $0x0  }
0x1f: {  	s9 =	smul.u32 $0xF7A, s1;
	s8 =	simm.s32 @!p0 $0x1BF5;
	p2 =	por !p2, p0  }
0x20: {  	[sflag:s8] =	ssyncset.s32 @!p0 $0xFFFFF086;
	s6 =	sadd.s32 @!p0 s3, s7;
	s7 =	simm.s32 @!p0 $0x108  }
0x21: {  	s3 =	sadd.s32 s3, s9;
	s6 =	sadd.s32 @!p0 $0x88, s6;
	s7 =	simm.s32 @p2 $0x1082  }
0x22: {  	[simem:s7], [sflag:s8] =	dma.local @!p0 [hbm:s6], $0xF7A  }
0x23: {  	s9 =	sor.u32 $0xD0000000, s2;
	s6 =	simm.s32 $0x108;
	_ =	swait.ge @!p0 [sflag:s8], $0x0  }
0x24: {  	s3 =	sadd.s32 $0x88, s3;
	s6 =	simm.s32 @!p1 $0x1082;
	[sflag:s4] =	ssyncset.s32 $0xFFFFF086  }
0x25: {  	[simem:s6], [sflag:s4] =	dma.local [hbm:s3], $0xF7A  }
0x26: {  	[smem:$0x3F9B] =	sst s1;
	(tag) =	ssettag s2;
	_ =	strace s9  }
0x27: {  	s1 =	sld [smem:$0x3FAB]  }
0x28: {  	s2 =	sld [smem:$0x3FAC]  }
0x29: {  	s4 =	sld [smem:$0x3FAE]  }
0x2a: {  	p0 =	seq.s32 s5, $0x0;
	s5 =	sld [smem:$0x3FAF]  }
0x2b: {  	s6 =	sld [smem:$0x3FB0]  }
0x2c: {  	s7 =	sld [smem:$0x3FB1]  }
0x2d: {  	s3 =	simm.s32 $0x108;
	s8 =	sld [smem:$0x3FB2]  }
0x2e: {  	s3 =	simm.s32 @!p0 $0x1082;
	s9 =	sld [smem:$0x3FB3]  }
0x2f: {  	lr =	sadd.s32 s0, s3;
	s0 =	sld [smem:$0x3FAA]  }
0x30: {  	s3 =	sld [smem:$0x3FAD]  }
0x31: {  	[smem:$0x3FB6] =	sst s10  }
0x32: {  	s10 =	sld [smem:$0x3FB4];
	_ =	sdelay $0x3  }
0x33: {  	p0 =	seq.s32 s10, $0x1;
	s10 =	sld [smem:$0x3FB6];
	_ =	sdelay $0x3  }
0x34: {  	[smem:$0x3FB6] =	sst s10  }
0x35: {  	s10 =	sld [smem:$0x3FB5];
	_ =	sdelay $0x3  }
0x36: {  	p1 =	seq.s32 s10, $0x1;
	s10 =	sld [smem:$0x3FB6];
	_ =	sdelay $0x3  }
0x37: {  	[smem:$0x3FB6] =	sst s10  }
0x38: {  	s10 =	sld [smem:$0x3FB7]  }
0x39: {  	_ = 	snop;
	(pc) =	sbr.ind lr, $3  }
0x3a: {  	_ = 	snop  }
0x3b: {  	_ = 	snop  }
0x3c: {  	p2 =	seq.s32 s10, $0x1;
	s10 =	sld [smem:$0x3FB6]  }
0x3d: {  	_ =	shalt  }
0x3e: {  	_ =	shalt  }
0x3f: {  	_ =	shalt  }
0x40: {  	_ =	shalt  }
0x41: {  	_ =	shalt  }
0x42: {  	_ =	shalt  }
0x43: {  	_ =	shalt  }
0x44: {  	_ =	shalt  }
0x45: {  	_ =	shalt  }
0x46: {  	_ =	shalt  }
0x47: {  	_ =	shalt  }
0x48: {  	_ =	shalt  }
0x49: {  	_ =	shalt  }
0x4a: {  	_ =	shalt  }
0x4b: {  	_ =	shalt  }
0x4c: {  	_ =	shalt  }
0x4d: {  	_ =	shalt  }
0x4e: {  	_ =	shalt  }
0x4f: {  	_ =	shalt  }
0x50: {  	_ =	shalt  }
0x51: {  	_ =	shalt  }
0x52: {  	_ =	shalt  }
0x53: {  	_ =	shalt  }
0x54: {  	_ =	shalt  }
0x55: {  	_ =	shalt  }
0x56: {  	_ =	shalt  }
0x57: {  	_ =	shalt  }
0x58: {  	_ =	shalt  }
0x59: {  	_ =	shalt  }
0x5a: {  	_ =	shalt  }
0x5b: {  	_ =	shalt  }
0x5c: {  	_ =	shalt  }
0x5d: {  	_ =	shalt  }
0x5e: {  	_ =	shalt  }
0x5f: {  	_ =	shalt  }
0x60: {  	_ =	shalt  }
0x61: {  	_ =	shalt  }
0x62: {  	_ =	shalt  }
0x63: {  	_ =	shalt  }
0x64: {  	_ =	shalt  }
0x65: {  	_ =	shalt  }
0x66: {  	_ =	shalt  }
0x67: {  	_ =	shalt  }
0x68: {  	_ =	shalt  }
0x69: {  	_ =	shalt  }
0x6a: {  	_ =	shalt  }
0x6b: {  	_ =	shalt  }
0x6c: {  	_ =	shalt  }
0x6d: {  	_ =	shalt  }
0x6e: {  	_ =	shalt  }
0x6f: {  	_ =	shalt  }
0x70: {  	_ =	shalt  }
0x71: {  	_ =	shalt  }
0x72: {  	_ =	shalt  }
0x73: {  	_ =	shalt  }
0x74: {  	_ =	shalt  }
0x75: {  	_ =	shalt  }
0x76: {  	_ =	shalt  }
0x77: {  	_ =	shalt  }
0x78: {  	_ =	shalt  }
0x79: {  	_ =	shalt  }
0x7a: {  	_ =	shalt  }
0x7b: {  	_ =	shalt  }
0x7c: {  	_ =	shalt  }
0x7d: {  	_ =	shalt  }
0x7e: {  	_ =	shalt  }
0x7f: {  	_ =	shalt  }
0x80: {  	_ =	shalt  }
0x81: {  	_ =	shalt  }
0x82: {  	_ =	shalt  }
0x83: {  	_ =	shalt  }
0x84: {  	_ =	shalt  }
0x85: {  	_ =	shalt  }
0x86: {  	_ =	shalt  }
0x87: {  	_ =	shalt  }
.Lfunc_end0:
.L_simem_size_0:
called_computation_lowered:
.L_overlay_start_0:
0x88: {  	s2 =	sld [smem:$0x3FD9]  }
0x89: {  	s3 =	sld [smem:$0x3FFE];
	_ =	sdelay $0x1  }
0x8a: {  	s1 =	srdreg.scid  }
0x8b: {  	s0 =	sand.u32 $0x1, s1  }
0x8c: {  	s18 =	sshll.u32 s0, $0xA;
	s2 =	sadd.s32 s3, s2  }
0x8d: {  	s2 =	sadd.s32 s2, s18  }
0x8e: {  	[smem:$0x3FC2] =	sst s2  }
0x8f: {  	_ = 	snop  }
0x90: {  	s2 =	sld [smem:$0x3FC9]  }
0x91: {  	s19 =	sld [smem:$0x3FC8]  }
0x92: {  	s4 =	sld [smem:$0x3FD0];
	(tm) =	ssettm $0x1  }
0x93: {  	s5 =	sld [smem:$0x3FFB];
	_ =	sdelay $0x3  }
0x94: {  	_ =	strace s5  }
0x95: {  	s5 =	sld [smem:$0x3FFC];
	_ =	sdelay $0x3  }
0x96: {  	_ =	strace s5  }
0x97: {  	s5 =	sld [smem:$0x3FFD];
	_ =	sdelay $0x3  }
0x98: {  	_ =	strace s5  }
0x99: {  	_ =	strace $0x8FFFFFFF  }
0x9a: {  	s20 =	sld [smem:$0x3FDB];
	_ =	sdelay $0x1  }
0x9b: {  	s6 =	simm.s32 $_scs_section_size  }
0x9c: {  	s7 =	simm.s32 $_size__tile_overlayer_lowered;
	s8 =	simm.s32 $_tile_overlayer_lowered  }
0x9d: {  	s23 =	simm.s32 $0x1BFF;
	s22 =	sshll.u32 s8, $0x1;
	s5 =	sadd.s32 s6, s20  }
0x9e: {  	s9 =	simm.s32 $0x0;
	s21 =	sshll.u32 s7, $0x1;
	s7 =	sadd.s32 s22, s5  }
0x9f: {  	[timem:s9], [sflag:s23] =	dma.local [hbm:s7], s21  }
0xa0: {  	_ =	swait.ge [sflag:s23], s21  }
0xa1: {  	s6 =	ssub.s32 $0x0, s21;
	[sflag:s23] =	ssyncset.done $0x0  }
0xa2: {  	[sflag:s23] =	ssyncadd.s32 s6;
	_ =	sdelay $0x1  }
0xa3: {  	s24 =	simm.s32 $0x1B8B  }
0xa4: {  	_ =	swait.ge [sflag:s24], $0x1  }
0xa5: {  	[sflag:s24] =	ssyncset.done $0x0  }
0xa6: {  	s25 =	simm.s32 $0x1B8E;
	[sflag:s24] =	ssyncadd.s32 $0xFFFFFFFF  }
0xa7: {  	s26 =	simm.s32 $execute0_lowered;
	[smem:$0x3FD2] =	sst s25  }
0xa8: {  	s6 =	sshll.u32 s26, $0x1;
	_ =	strace $0x80000046;
	[dreg:$0x1] =	wrdreg $0xFFFFFFFF  }
0xa9: {  	s28 =	simm.s32 $_size_execute0_lowered;
	s5 =	sadd.s32 s5, s6;
	[dreg:$0x0] =	wrdreg $0x0  }
0xaa: {  	s6 =	sshll.u32 s28, $0x1;
	[dreg:$0x2] =	wrdreg s5  }
0xab: {  	[dreg:$0x3] =	wrdreg s6  }
0xac: {  	[dreg:$0x4] =	wrdreg $0xC0  }
0xad: {  	_ =	task [dreg:s9], $0x5FFFF  }
0xae: {  	[dreg:$0x1] =	wrdreg $0xFFFFFFFF  }
0xaf: {  	[dreg:$0x0] =	wrdreg $0x60  }
0xb0: {  	[dreg:$0x2] =	wrdreg s2  }
0xb1: {  	[dreg:$0x3] =	wrdreg s19  }
0xb2: {  	[dreg:$0x4] =	wrdreg s4  }
0xb3: {  	[dreg:$0x5] =	wrdreg $0x9  }
0xb4: {  	_ =	task.clear_ibuf [dreg:s9], $0x6FFFF;
	_ =	strace $0x90000046  }
0xb5: {  	s29 =	simm.s32 $0x9;
	_ =	strace $0x80000048  }
0xb6: {  	_ =	swait.ge [sflag:s29], $0x1  }
0xb7: {  	[sflag:s29] =	ssyncadd.s32 $0xFFFFFFFF  }
0xb8: {  	_ =	strace $0x90000048  }
0xb9: {  	_ =	sfence  }
0xba: {  	s30 =	sld [smem:$0x0];
	_ =	sdelay $0x2  }
0xbb: {  	s31 =	sshll.u32 s1, $0xD;
	s1 =	sshrl.u32 s1, $0x2  }
0xbc: {  	s3 =	sand.u32 $0x4000, s31;
	s1 =	sadd.s32 s1, s30  }
0xbd: {  	s0 =	sor.u32 s3, s0;
	s1 =	sshll.u32 s1, $0x11  }
0xbe: {  	s0 =	sor.u32 s1, s0  }
0xbf: {  	s0 =	sadd.s32 $0x8F2B, s0  }
0xc0: {  	[sflag:s0] =	ssyncadd.remote.s32 $0x1  }
0xc1: {  	_ =	sfence.sel $0xFFFF  }
0xc2: {  	[dreg:$0x0] =	wrdreg $0xFFFFFFFF;
	(pc) =	sbr.abs _section_cstart, $3  }
0xc3: {  	[dreg:$0x1] =	wrdreg $0xFFFFFFFF  }
0xc4: {  	_ =	task.clear_ibuf [dreg:s9], $0x2FFFF;
	_ =	strace $0x9FFFFFFF  }
0xc5: {  	(tm) =	ssettm $0x7FFFFFFF  }
tec
execute0_lowered:
.L_overlay_start_1:
0x0: {  	(tag) =	ssettag $0x1  }
0x1: {  	s1 =	rddreg [dreg:$0x0]  }
0x2: {  	s2 =	rddreg [dreg:$0x1]  }
0x3: {  	s0 =	rddreg [dreg:$0x2]  }
0x4: {  	s6 =	stileid.u32;
	s3 =	srdreg.scid  }
0x5: {  	s28 =	simm.s32 $0x6900;
	s29 =	simm.s32 $0x7100;
	s30 =	simm.s32 $0x7900  }
0x6: {  	s31 =	simm.s32 $0x8100;
	s4 =	sshll.u32 s6, $0x1;
	s5 =	sand.u32 $0x1, s3  }
0x7: {  	s6 =	sshrl.u32 s6, $0x2;
	s3 =	simm.s32 $0x0;
	s4 =	sand.u32 $0x6, s4  }
0x8: {  	s7 =	smul.u32 $0x1818, s6;
	[smem:$0x7FF] =	sst s3;
	s6 =	sshll.u32 s6, $0x4  }
0x9: {  	s4 =	sor.u32 s5, s4;
	s1 =	sadd.s32 s1, s6;
	_ =	strace $0x80000047  }
0xa: {  	s8 =	sshll.u32 s4, $0x8;
	s4 =	sshll.u32 s4, $0x7;
	s6 =	sadd.s32 $0x8, s7  }
0xb: {  	s5 =	ssub.s32 $0x2, s5;
	s1 =	sadd.s32 s4, s1;
	s16 =	sadd.s32 s6, s8  }
0xc: {  	s4 =	sadd.s32 $0x810, s7;
	s7 =	sadd.s32 $0x1018, s7;
	s11 =	sor.u32 $0x40, s8  }
0xd: {  	s24 =	sor.u32 $0x80, s8;
	[dreg:$0x4] =	wrdreg s1;
	s17 =	sshrl.u32 s16, $0x3  }
0xe: {  	s9 =	sadd.s32 s4, s8;
	s10 =	sadd.s32 s7, s8;
	s12 =	sadd.s32 s6, s11  }
0xf: {  	s22 =	sadd.s32 s4, s11;
	s23 =	sadd.s32 s7, s11;
	s25 =	sadd.s32 s6, s24  }
0x10: {  	s14 =	sadd.s32 s4, s24;
	s8 =	sor.u32 $0xC0, s8;
	s11 =	simm.s32 $0xA100  }
0x11: {  	s1 =	smul.u32 $0x300, s17;
	s9 =	sshrl.u32 s9, $0x3;
	s10 =	sshrl.u32 s10, $0x3  }
0x12: {  	s12 =	sshrl.u32 s12, $0x3;
	s13 =	sshrl.u32 s25, $0x3;
	s15 =	sshrl.u32 s14, $0x3  }
0x13: {  	s17 =	sshrl.u32 s5, $0x1;
	s6 =	sadd.s32 s6, s8;
	s9 =	smul.u32 $0x300, s9  }
0x14: {  	s4 =	sadd.s32 s4, s8;
	s25 =	simm.s32 $0x80;
	s10 =	smul.u32 $0x300, s10  }
0x15: {  	s19 =	smul.u32 $0x300, s12;
	s6 =	sshrl.u32 s6, $0x3;
	s4 =	sshrl.u32 s4, $0x3  }
0x16: {  	[dreg:$0x11] =	wrdreg s25;
	s12 =	simm.s32 $0x4;
	s6 =	smul.u32 $0x300, s6  }
0x17: {  	s25 =	simm.s32 $0x5900;
	s1 =	sadd.s32 s0, s1;
	s4 =	smul.u32 $0x300, s4  }
0x18: {  	[dreg:$0x5] =	wrdreg s1;
	s18 =	sadd.s32 s0, s9;
	s20 =	sadd.s32 s0, s10  }
0x19: {  	s21 =	sadd.s32 s0, s19;
	s9 =	sshrl.u32 s22, $0x3;
	s10 =	sshrl.u32 s23, $0x3  }
0x1a: {  	s19 =	sadd.s32 s7, s24;
	s7 =	sadd.s32 s7, s8;
	s23 =	ssub.s32 s5, s17  }
0x1b: {  	s5 =	sadd.s32 $0x200, s2;
	[dreg:$0x6] =	wrdreg s18;
	s9 =	smul.u32 $0x300, s9  }
0x1c: {  	s8 =	simm.s32 $0x100;
	[dreg:$0x7] =	wrdreg s20;
	s26 =	smul.u32 $0x300, s10  }
0x1d: {  	s17 =	simm.s32 $0x1900;
	[dreg:$0x8] =	wrdreg s21;
	s10 =	smul.u32 $0x300, s13  }
0x1e: {  	s20 =	sshrl.u32 s19, $0x3;
	s7 =	sshrl.u32 s7, $0x3;
	s21 =	sadd.s32 s0, s6  }
0x1f: {  	s24 =	sadd.s32 s0, s4;
	s4 =	sadd.s32 $0x100, s2;
	s6 =	smax.u32 s23, $0x1  }
0x20: {  	s19 =	simm.s32 $0x2900;
	s23 =	simm.s32 $0x4900;
	[dreg:$0xe] =	wrdreg s21  }
0x21: {  	s22 =	smul.u32 $0x300, s7;
	[dreg:$0xf] =	wrdreg s24;
	s9 =	sadd.s32 s0, s9  }
0x22: {  	s21 =	simm.s32 $0x3900;
	s1 =	sadd.s32 s0, s26;
	[dreg:$0x9] =	wrdreg s9  }
0x23: {  	s24 =	simm.s32 $0x5100;
	s16 =	sadd.s32 s0, s10;
	[dreg:$0xa] =	wrdreg s1  }
0x24: {  	s26 =	simm.s32 $0x200;
	s9 =	smul.u32 $0x300, s15;
	[dreg:$0xb] =	wrdreg s16  }
0x25: {  	s10 =	simm.s32 $0x3;
	s1 =	smul.u32 $0x300, s20;
	[dreg:$0x12] =	wrdreg s26  }
0x26: {  	s16 =	simm.s32 $0x1100;
	s20 =	simm.s32 $0x3100;
	s18 =	sadd.s32 s0, s9  }
0x27: {  	v2 =	vlaneseq.u32;
	s26 =	simm.s32 $0x6100;
	s1 =	sadd.s32 s0, s1;
	[dreg:$0xc] =	wrdreg s18  }
0x28: {  	vm0 =	vmmov $0xffff;
	v1 =	vshrl.u32 v2, $0x3;
	s0 =	sadd.s32 s0, s22;
	s22 =	simm.s32 $0x4100;
	[dreg:$0xd] =	wrdreg s1  }
0x29: {  	v0 =	vand.u32 $0x7, v2;
	v2 =	vor.u32 $0x8, v2;
	v1 =	vmul.u32 $0x8, v1;
	[dreg:$0x10] =	wrdreg s0;
	s1 =	simm.s32 $0xC100;
	s18 =	simm.s32 $0x2100  }
.LBB2_1:
0x2a: {  	s13 =	rddreg [dreg:$0x4]  }
0x2b: {  	s14 =	rddreg [dreg:$0x11]  }
0x2c: {  	s15 =	rddreg [dreg:$0x12];
	s0 =	simm.s32 $0x5  }
0x2d: {  	[tilespmem:s3], [sflag:$0x5] =	stream.strided.gather [hbm4b:s13+s14], $0x100, s15, s14, $0x38;
	[tilespmem:$0x18100] =	vst v63  }
0x2e: {  	_ =	swait.ge [sflag:s0], $0x100  }
0x2f: {  	[sflag:s0] =	ssyncset.done $0x0  }
0x30: {  	[sflag:s0] =	ssyncadd.s32 $0xFFFFFF00  }
0x31: {  	v3 =	vld [tilespmem:$0x0];
	_ =	sdelay $0x4  }
0x32: {  	v4 =	vshrl.u32 v3, $0x3  }
0x33: {  	v4 =	vmul.u32 $0x30, v4  }
0x34: {  	v3 =	vand.u32 $0x7, v3  }
0x35: {  	v3 =	vor.u32 v3, v4  }
0x36: {  	v4 =	vperm.xlane v3, v0;
	_ =	sdelay $0x1  }
0x37: {  	v4 =	vadd.s32 v1, v4;
	_ =	sdelay $0x3  }
0x38: {  	v3 =	vperm.xlane v3, v2  }
0x39: {  	[tilespmem:s8], [sflag:$0x1] =	stream.indirect_vreg.gather [hbm4b:s2+s3], $0x80, v4, vm0, $0xb8;
	[tilespmem:$0x18100] =	vst v63  }
0x3a: {  	s15 =	simm.s32 $0x900;
	v3 =	vadd.s32 v1, v3  }
0x3b: {  	[tilespmem:s15], [sflag:$0x1] =	stream.indirect_vreg.gather [hbm4b:s4+s3], $0x80, v4, vm0, $0xb8;
	[tilespmem:$0x18100] =	vst v63  }
0x3c: {  	_ = 	snop  }
0x3d: {  	[tilespmem:s16], [sflag:$0x1] =	stream.indirect_vreg.gather [hbm4b:s5+s3], $0x80, v4, vm0, $0xb8;
	[tilespmem:$0x18100] =	vst v63  }
0x3e: {  	_ = 	snop  }
0x3f: {  	[tilespmem:s17], [sflag:$0x1] =	stream.indirect_vreg.gather [hbm4b:s2+s3], $0x80, v3, vm0, $0xb8;
	[tilespmem:$0x18100] =	vst v63  }
0x40: {  	_ = 	snop  }
0x41: {  	[tilespmem:s18], [sflag:$0x1] =	stream.indirect_vreg.gather [hbm4b:s4+s3], $0x80, v3, vm0, $0xb8;
	[tilespmem:$0x18100] =	vst v63  }
0x42: {  	_ = 	snop  }
0x43: {  	[tilespmem:s19], [sflag:$0x1] =	stream.indirect_vreg.gather [hbm4b:s5+s3], $0x80, v3, vm0, $0xb8;
	[tilespmem:$0x18100] =	vst v63  }
0x44: {  	v3 =	vld [tilespmem:$0x10];
	_ =	sdelay $0x4  }
0x45: {  	v49 =	vshrl.u32 v3, $0x3  }
0x46: {  	v4 =	vmul.u32 $0x30, v49  }
0x47: {  	v3 =	vand.u32 $0x7, v3  }
0x48: {  	v3 =	vor.u32 v3, v4  }
0x49: {  	v4 =	vperm.xlane v3, v0;
	_ =	sdelay $0x1  }
0x4a: {  	v4 =	vadd.s32 v1, v4;
	_ =	sdelay $0x3  }
0x4b: {  	v3 =	vperm.xlane v3, v2  }
0x4c: {  	[tilespmem:s20], [sflag:$0x1] =	stream.indirect_vreg.gather [hbm4b:s2+s3], $0x80, v4, vm0, $0xb8;
	[tilespmem:$0x18100] =	vst v63  }
0x4d: {  	v3 =	vadd.s32 v1, v3  }
0x4e: {  	[tilespmem:s21], [sflag:$0x1] =	stream.indirect_vreg.gather [hbm4b:s4+s3], $0x80, v4, vm0, $0xb8;
	[tilespmem:$0x18100] =	vst v63  }
0x4f: {  	_ = 	snop  }
0x50: {  	[tilespmem:s22], [sflag:$0x1] =	stream.indirect_vreg.gather [hbm4b:s5+s3], $0x80, v4, vm0, $0xb8;
	[tilespmem:$0x18100] =	vst v63  }
0x51: {  	_ = 	snop  }
0x52: {  	[tilespmem:s23], [sflag:$0x1] =	stream.indirect_vreg.gather [hbm4b:s2+s3], $0x80, v3, vm0, $0xb8;
	[tilespmem:$0x18100] =	vst v63  }
0x53: {  	_ = 	snop  }
0x54: {  	[tilespmem:s24], [sflag:$0x1] =	stream.indirect_vreg.gather [hbm4b:s4+s3], $0x80, v3, vm0, $0xb8;
	[tilespmem:$0x18100] =	vst v63  }
0x55: {  	_ = 	snop  }
0x56: {  	[tilespmem:s25], [sflag:$0x1] =	stream.indirect_vreg.gather [hbm4b:s5+s3], $0x80, v3, vm0, $0xb8;
	[tilespmem:$0x18100] =	vst v63  }
0x57: {  	v3 =	vld [tilespmem:$0x20];
	_ =	sdelay $0x4  }
0x58: {  	v50 =	vshrl.u32 v3, $0x3  }
0x59: {  	v4 =	vmul.u32 $0x30, v50  }
0x5a: {  	v3 =	vand.u32 $0x7, v3  }
0x5b: {  	v3 =	vor.u32 v3, v4  }
0x5c: {  	v4 =	vperm.xlane v3, v0;
	_ =	sdelay $0x1  }
0x5d: {  	v4 =	vadd.s32 v1, v4;
	_ =	sdelay $0x3  }
0x5e: {  	v3 =	vperm.xlane v3, v2  }
0x5f: {  	[tilespmem:s26], [sflag:$0x1] =	stream.indirect_vreg.gather [hbm4b:s2+s3], $0x80, v4, vm0, $0xb8;
	[tilespmem:$0x18100] =	vst v63  }
0x60: {  	v3 =	vadd.s32 v1, v3  }
0x61: {  	[tilespmem:s28], [sflag:$0x1] =	stream.indirect_vreg.gather [hbm4b:s4+s3], $0x80, v4, vm0, $0xb8;
	[tilespmem:$0x18100] =	vst v63  }
0x62: {  	_ = 	snop  }
0x63: {  	[tilespmem:s29], [sflag:$0x1] =	stream.indirect_vreg.gather [hbm4b:s5+s3], $0x80, v4, vm0, $0xb8;
	[tilespmem:$0x18100] =	vst v63  }
0x64: {  	_ = 	snop  }
0x65: {  	[tilespmem:s30], [sflag:$0x1] =	stream.indirect_vreg.gather [hbm4b:s2+s3], $0x80, v3, vm0, $0xb8;
	[tilespmem:$0x18100] =	vst v63  }
0x66: {  	_ = 	snop  }
0x67: {  	[tilespmem:s31], [sflag:$0x1] =	stream.indirect_vreg.gather [hbm4b:s4+s3], $0x80, v3, vm0, $0xb8;
	[tilespmem:$0x18100] =	vst v63  }
0x68: {  	s13 =	simm.s32 $0x8900  }
0x69: {  	[tilespmem:s13], [sflag:$0x1] =	stream.indirect_vreg.gather [hbm4b:s5+s3], $0x80, v3, vm0, $0xb8;
	[tilespmem:$0x18100] =	vst v63  }
0x6a: {  	v3 =	vld [tilespmem:$0x30];
	_ =	sdelay $0x4  }
0x6b: {  	v51 =	vshrl.u32 v3, $0x3  }
0x6c: {  	v4 =	vmul.u32 $0x30, v51  }
0x6d: {  	v3 =	vand.u32 $0x7, v3  }
0x6e: {  	v3 =	vor.u32 v3, v4  }
0x6f: {  	v4 =	vperm.xlane v3, v0;
	_ =	sdelay $0x1  }
0x70: {  	v4 =	vadd.s32 v1, v4;
	_ =	sdelay $0x3  }
0x71: {  	s7 =	simm.s32 $0x9100;
	v3 =	vperm.xlane v3, v2  }
0x72: {  	[tilespmem:s7], [sflag:$0x1] =	stream.indirect_vreg.gather [hbm4b:s2+s3], $0x80, v4, vm0, $0xb8;
	[tilespmem:$0x18100] =	vst v63  }
0x73: {  	s9 =	simm.s32 $0x9900;
	v3 =	vadd.s32 v1, v3  }
0x74: {  	[tilespmem:s9], [sflag:$0x1] =	stream.indirect_vreg.gather [hbm4b:s4+s3], $0x80, v4, vm0, $0xb8;
	[tilespmem:$0x18100] =	vst v63  }
0x75: {  	_ = 	snop  }
0x76: {  	[tilespmem:s11], [sflag:$0x1] =	stream.indirect_vreg.gather [hbm4b:s5+s3], $0x80, v4, vm0, $0xb8;
	[tilespmem:$0x18100] =	vst v63  }
0x77: {  	s14 =	simm.s32 $0xA900  }
0x78: {  	[tilespmem:s14], [sflag:$0x1] =	stream.indirect_vreg.gather [hbm4b:s2+s3], $0x80, v3, vm0, $0xb8;
	[tilespmem:$0x18100] =	vst v63  }
0x79: {  	s13 =	simm.s32 $0xB100  }
0x7a: {  	[tilespmem:s13], [sflag:$0x1] =	stream.indirect_vreg.gather [hbm4b:s4+s3], $0x80, v3, vm0, $0xb8;
	[tilespmem:$0x18100] =	vst v63  }
0x7b: {  	s14 =	simm.s32 $0xB900  }
0x7c: {  	[tilespmem:s14], [sflag:$0x1] =	stream.indirect_vreg.gather [hbm4b:s5+s3], $0x80, v3, vm0, $0xb8;
	[tilespmem:$0x18100] =	vst v63  }
0x7d: {  	v3 =	vld [tilespmem:$0x40];
	_ =	sdelay $0x4  }
0x7e: {  	v52 =	vshrl.u32 v3, $0x3  }
0x7f: {  	v4 =	vmul.u32 $0x30, v52  }
0x80: {  	v3 =	vand.u32 $0x7, v3  }
0x81: {  	v3 =	vor.u32 v3, v4  }
0x82: {  	v4 =	vperm.xlane v3, v0;
	_ =	sdelay $0x1  }
0x83: {  	v4 =	vadd.s32 v1, v4;
	_ =	sdelay $0x3  }
0x84: {  	v3 =	vperm.xlane v3, v2  }
0x85: {  	[tilespmem:s1], [sflag:$0x2] =	stream.indirect_vreg.gather [hbm4b:s2+s3], $0x80, v4, vm0, $0xb8;
	[tilespmem:$0x18100] =	vst v63  }
0x86: {  	s13 =	simm.s32 $0xC900;
	v3 =	vadd.s32 v1, v3  }
0x87: {  	[tilespmem:s13], [sflag:$0x2] =	stream.indirect_vreg.gather [hbm4b:s4+s3], $0x80, v4, vm0, $0xb8;
	[tilespmem:$0x18100] =	vst v63  }
0x88: {  	s14 =	simm.s32 $0xD100  }
0x89: {  	[tilespmem:s14], [sflag:$0x2] =	stream.indirect_vreg.gather [hbm4b:s5+s3], $0x80, v4, vm0, $0xb8;
	[tilespmem:$0x18100] =	vst v63  }
0x8a: {  	s13 =	simm.s32 $0xD900  }
0x8b: {  	[tilespmem:s13], [sflag:$0x2] =	stream.indirect_vreg.gather [hbm4b:s2+s3], $0x80, v3, vm0, $0xb8;
	[tilespmem:$0x18100] =	vst v63  }
0x8c: {  	s14 =	simm.s32 $0xE100  }
0x8d: {  	[tilespmem:s14], [sflag:$0x2] =	stream.indirect_vreg.gather [hbm4b:s4+s3], $0x80, v3, vm0, $0xb8;
	[tilespmem:$0x18100] =	vst v63  }
0x8e: {  	s13 =	simm.s32 $0xE900  }
0x8f: {  	[tilespmem:s13], [sflag:$0x2] =	stream.indirect_vreg.gather [hbm4b:s5+s3], $0x80, v3, vm0, $0xb8;
	[tilespmem:$0x18100] =	vst v63  }
0x90: {  	v3 =	vld [tilespmem:$0x50];
	_ =	sdelay $0x4  }
0x91: {  	v53 =	vshrl.u32 v3, $0x3  }
0x92: {  	v4 =	vmul.u32 $0x30, v53  }
0x93: {  	v3 =	vand.u32 $0x7, v3  }
0x94: {  	v3 =	vor.u32 v3, v4  }
0x95: {  	v4 =	vperm.xlane v3, v0;
	_ =	sdelay $0x1  }
0x96: {  	v4 =	vadd.s32 v1, v4;
	_ =	sdelay $0x3  }
0x97: {  	s14 =	simm.s32 $0xF100;
	v3 =	vperm.xlane v3, v2  }
0x98: {  	[tilespmem:s14], [sflag:$0x2] =	stream.indirect_vreg.gather [hbm4b:s2+s3], $0x80, v4, vm0, $0xb8;
	[tilespmem:$0x18100] =	vst v63  }
0x99: {  	s13 =	simm.s32 $0xF900;
	v3 =	vadd.s32 v1, v3  }
0x9a: {  	[tilespmem:s13], [sflag:$0x2] =	stream.indirect_vreg.gather [hbm4b:s4+s3], $0x80, v4, vm0, $0xb8;
	[tilespmem:$0x18100] =	vst v63  }
0x9b: {  	s14 =	simm.s32 $0x10100  }
0x9c: {  	[tilespmem:s14], [sflag:$0x2] =	stream.indirect_vreg.gather [hbm4b:s5+s3], $0x80, v4, vm0, $0xb8;
	[tilespmem:$0x18100] =	vst v63  }
0x9d: {  	s13 =	simm.s32 $0x10900  }
0x9e: {  	[tilespmem:s13], [sflag:$0x2] =	stream.indirect_vreg.gather [hbm4b:s2+s3], $0x80, v3, vm0, $0xb8;
	[tilespmem:$0x18100] =	vst v63  }
0x9f: {  	s14 =	simm.s32 $0x11100  }
0xa0: {  	[tilespmem:s14], [sflag:$0x2] =	stream.indirect_vreg.gather [hbm4b:s4+s3], $0x80, v3, vm0, $0xb8;
	[tilespmem:$0x18100] =	vst v63  }
0xa1: {  	s13 =	simm.s32 $0x11900  }
0xa2: {  	[tilespmem:s13], [sflag:$0x2] =	stream.indirect_vreg.gather [hbm4b:s5+s3], $0x80, v3, vm0, $0xb8;
	[tilespmem:$0x18100] =	vst v63  }
0xa3: {  	v3 =	vld [tilespmem:$0x60];
	_ =	sdelay $0x4  }
0xa4: {  	v54 =	vshrl.u32 v3, $0x3  }
0xa5: {  	v4 =	vmul.u32 $0x30, v54  }
0xa6: {  	v3 =	vand.u32 $0x7, v3  }
0xa7: {  	v3 =	vor.u32 v3, v4  }
0xa8: {  	v4 =	vperm.xlane v3, v0;
	_ =	sdelay $0x1  }
0xa9: {  	v4 =	vadd.s32 v1, v4;
	_ =	sdelay $0x3  }
0xaa: {  	s14 =	simm.s32 $0x12100;
	v3 =	vperm.xlane v3, v2  }
0xab: {  	[tilespmem:s14], [sflag:$0x2] =	stream.indirect_vreg.gather [hbm4b:s2+s3], $0x80, v4, vm0, $0xb8;
	[tilespmem:$0x18100] =	vst v63  }
0xac: {  	s13 =	simm.s32 $0x12900;
	v3 =	vadd.s32 v1, v3  }
0xad: {  	[tilespmem:s13], [sflag:$0x2] =	stream.indirect_vreg.gather [hbm4b:s4+s3], $0x80, v4, vm0, $0xb8;
	[tilespmem:$0x18100] =	vst v63  }
0xae: {  	s14 =	simm.s32 $0x13100  }
0xaf: {  	[tilespmem:s14], [sflag:$0x2] =	stream.indirect_vreg.gather [hbm4b:s5+s3], $0x80, v4, vm0, $0xb8;
	[tilespmem:$0x18100] =	vst v63  }
0xb0: {  	s13 =	simm.s32 $0x13900  }
0xb1: {  	[tilespmem:s13], [sflag:$0x2] =	stream.indirect_vreg.gather [hbm4b:s2+s3], $0x80, v3, vm0, $0xb8;
	[tilespmem:$0x18100] =	vst v63  }
0xb2: {  	s14 =	simm.s32 $0x14100  }
0xb3: {  	[tilespmem:s14], [sflag:$0x2] =	stream.indirect_vreg.gather [hbm4b:s4+s3], $0x80, v3, vm0, $0xb8;
	[tilespmem:$0x18100] =	vst v63  }
0xb4: {  	s13 =	simm.s32 $0x14900  }
0xb5: {  	[tilespmem:s13], [sflag:$0x2] =	stream.indirect_vreg.gather [hbm4b:s5+s3], $0x80, v3, vm0, $0xb8;
	[tilespmem:$0x18100] =	vst v63  }
0xb6: {  	v3 =	vld [tilespmem:$0x70];
	_ =	sdelay $0x4  }
0xb7: {  	v55 =	vshrl.u32 v3, $0x3  }
0xb8: {  	v4 =	vmul.u32 $0x30, v55  }
0xb9: {  	v3 =	vand.u32 $0x7, v3  }
0xba: {  	v3 =	vor.u32 v3, v4  }
0xbb: {  	v4 =	vperm.xlane v3, v0;
	_ =	sdelay $0x1  }
0xbc: {  	v4 =	vadd.s32 v1, v4;
	_ =	sdelay $0x3  }
0xbd: {  	s14 =	simm.s32 $0x15100;
	v3 =	vperm.xlane v3, v2  }
0xbe: {  	[tilespmem:s14], [sflag:$0x2] =	stream.indirect_vreg.gather [hbm4b:s2+s3], $0x80, v4, vm0, $0xb8;
	[tilespmem:$0x18100] =	vst v63  }
0xbf: {  	s13 =	simm.s32 $0x15900;
	v3 =	vadd.s32 v1, v3  }
0xc0: {  	[tilespmem:s13], [sflag:$0x2] =	stream.indirect_vreg.gather [hbm4b:s4+s3], $0x80, v4, vm0, $0xb8;
	[tilespmem:$0x18100] =	vst v63  }
0xc1: {  	s14 =	simm.s32 $0x16100  }
0xc2: {  	[tilespmem:s14], [sflag:$0x2] =	stream.indirect_vreg.gather [hbm4b:s5+s3], $0x80, v4, vm0, $0xb8;
	[tilespmem:$0x18100] =	vst v63  }
0xc3: {  	s13 =	simm.s32 $0x16900  }
0xc4: {  	[tilespmem:s13], [sflag:$0x2] =	stream.indirect_vreg.gather [hbm4b:s2+s3], $0x80, v3, vm0, $0xb8;
	[tilespmem:$0x18100] =	vst v63  }
0xc5: {  	s14 =	simm.s32 $0x17100  }
0xc6: {  	[tilespmem:s14], [sflag:$0x2] =	stream.indirect_vreg.gather [hbm4b:s4+s3], $0x80, v3, vm0, $0xb8;
	[tilespmem:$0x18100] =	vst v63  }
0xc7: {  	s0 =	simm.s32 $0x1;
	s13 =	simm.s32 $0x17900  }
0xc8: {  	[tilespmem:s13], [sflag:$0x2] =	stream.indirect_vreg.gather [hbm4b:s5+s3], $0x80, v3, vm0, $0xb8;
	[tilespmem:$0x18100] =	vst v63  }
0xc9: {  	_ =	swait.ge [sflag:s0], $0xC000  }
0xca: {  	[sflag:s0] =	ssyncset.done $0x0  }
0xcb: {  	s13 =	rddreg [dreg:$0x5];
	[sflag:s0] =	ssyncadd.s32 $0xFFFF4000  }
0xcc: {  	[hbm4b:s13+s3] =	stream.linear.scatter [tilespmem:s8], [sflag:$0x3], $0xC000, $0x38;
	[tilespmem:$0x18100] =	vst v63  }
0xcd: {  	s14 =	rddreg [dreg:$0x6]  }
0xce: {  	[hbm4b:s14+s3] =	stream.linear.scatter [tilespmem:s8], [sflag:$0x3], $0xC000, $0x38;
	[tilespmem:$0x18100] =	vst v63  }
0xcf: {  	s13 =	rddreg [dreg:$0x7]  }
0xd0: {  	[hbm4b:s13+s3] =	stream.linear.scatter [tilespmem:s8], [sflag:$0x3], $0xC000, $0x38;
	[tilespmem:$0x18100] =	vst v63  }
0xd1: {  	_ =	swait.ge [sflag:s10], $0xC000  }
0xd2: {  	[sflag:s10] =	ssyncset.done $0x0  }
0xd3: {  	[sflag:s10] =	ssyncadd.s32 $0xFFFF4000  }
0xd4: {  	_ =	swait.ge [sflag:s10], $0xC000  }
0xd5: {  	[sflag:s10] =	ssyncset.done $0x0  }
0xd6: {  	[sflag:s10] =	ssyncadd.s32 $0xFFFF4000  }
0xd7: {  	_ =	swait.ge [sflag:s10], $0xC000  }
0xd8: {  	[sflag:s10] =	ssyncset.done $0x0  }
0xd9: {  	[sflag:s10] =	ssyncadd.s32 $0xFFFF4000  }
0xda: {  	v3 =	vld [tilespmem:$0x80];
	_ =	sdelay $0x4  }
0xdb: {  	v56 =	vshrl.u32 v3, $0x3  }
0xdc: {  	v4 =	vmul.u32 $0x30, v56  }
0xdd: {  	v3 =	vand.u32 $0x7, v3  }
0xde: {  	v3 =	vor.u32 v3, v4  }
0xdf: {  	v4 =	vperm.xlane v3, v0;
	_ =	sdelay $0x1  }
0xe0: {  	v4 =	vadd.s32 v1, v4;
	_ =	sdelay $0x3  }
0xe1: {  	v3 =	vperm.xlane v3, v2  }
0xe2: {  	[tilespmem:s8], [sflag:$0x1] =	stream.indirect_vreg.gather [hbm4b:s2+s3], $0x80, v4, vm0, $0xb8;
	[tilespmem:$0x18100] =	vst v63  }
0xe3: {  	v3 =	vadd.s32 v1, v3  }
0xe4: {  	[tilespmem:s15], [sflag:$0x1] =	stream.indirect_vreg.gather [hbm4b:s4+s3], $0x80, v4, vm0, $0xb8;
	[tilespmem:$0x18100] =	vst v63  }
0xe5: {  	_ = 	snop  }
0xe6: {  	[tilespmem:s16], [sflag:$0x1] =	stream.indirect_vreg.gather [hbm4b:s5+s3], $0x80, v4, vm0, $0xb8;
	[tilespmem:$0x18100] =	vst v63  }
0xe7: {  	_ = 	snop  }
0xe8: {  	[tilespmem:s17], [sflag:$0x1] =	stream.indirect_vreg.gather [hbm4b:s2+s3], $0x80, v3, vm0, $0xb8;
	[tilespmem:$0x18100] =	vst v63  }
0xe9: {  	_ = 	snop  }
0xea: {  	[tilespmem:s18], [sflag:$0x1] =	stream.indirect_vreg.gather [hbm4b:s4+s3], $0x80, v3, vm0, $0xb8;
	[tilespmem:$0x18100] =	vst v63  }
0xeb: {  	_ = 	snop  }
0xec: {  	[tilespmem:s19], [sflag:$0x1] =	stream.indirect_vreg.gather [hbm4b:s5+s3], $0x80, v3, vm0, $0xb8;
	[tilespmem:$0x18100] =	vst v63  }
0xed: {  	v3 =	vld [tilespmem:$0x90];
	_ =	sdelay $0x4  }
0xee: {  	v57 =	vshrl.u32 v3, $0x3  }
0xef: {  	v4 =	vmul.u32 $0x30, v57  }
0xf0: {  	v3 =	vand.u32 $0x7, v3  }
0xf1: {  	v3 =	vor.u32 v3, v4  }
0xf2: {  	v4 =	vperm.xlane v3, v0;
	_ =	sdelay $0x1  }
0xf3: {  	v4 =	vadd.s32 v1, v4;
	_ =	sdelay $0x3  }
0xf4: {  	v3 =	vperm.xlane v3, v2  }
0xf5: {  	[tilespmem:s20], [sflag:$0x1] =	stream.indirect_vreg.gather [hbm4b:s2+s3], $0x80, v4, vm0, $0xb8;
	[tilespmem:$0x18100] =	vst v63  }
0xf6: {  	v3 =	vadd.s32 v1, v3  }
0xf7: {  	[tilespmem:s21], [sflag:$0x1] =	stream.indirect_vreg.gather [hbm4b:s4+s3], $0x80, v4, vm0, $0xb8;
	[tilespmem:$0x18100] =	vst v63  }
0xf8: {  	_ = 	snop  }
0xf9: {  	[tilespmem:s22], [sflag:$0x1] =	stream.indirect_vreg.gather [hbm4b:s5+s3], $0x80, v4, vm0, $0xb8;
	[tilespmem:$0x18100] =	vst v63  }
0xfa: {  	_ = 	snop  }
0xfb: {  	[tilespmem:s23], [sflag:$0x1] =	stream.indirect_vreg.gather [hbm4b:s2+s3], $0x80, v3, vm0, $0xb8;
	[tilespmem:$0x18100] =	vst v63  }
0xfc: {  	_ = 	snop  }
0xfd: {  	[tilespmem:s24], [sflag:$0x1] =	stream.indirect_vreg.gather [hbm4b:s4+s3], $0x80, v3, vm0, $0xb8;
	[tilespmem:$0x18100] =	vst v63  }
0xfe: {  	_ = 	snop  }
0xff: {  	[tilespmem:s25], [sflag:$0x1] =	stream.indirect_vreg.gather [hbm4b:s5+s3], $0x80, v3, vm0, $0xb8;
	[tilespmem:$0x18100] =	vst v63  }
0x100: {  	v3 =	vld [tilespmem:$0xA0];
	_ =	sdelay $0x4  }
0x101: {  	v58 =	vshrl.u32 v3, $0x3  }
0x102: {  	v4 =	vmul.u32 $0x30, v58  }
0x103: {  	v3 =	vand.u32 $0x7, v3  }
0x104: {  	v3 =	vor.u32 v3, v4  }
0x105: {  	v4 =	vperm.xlane v3, v0;
	_ =	sdelay $0x1  }
0x106: {  	v4 =	vadd.s32 v1, v4;
	_ =	sdelay $0x3  }
0x107: {  	v3 =	vperm.xlane v3, v2  }
0x108: {  	[tilespmem:s26], [sflag:$0x1] =	stream.indirect_vreg.gather [hbm4b:s2+s3], $0x80, v4, vm0, $0xb8;
	[tilespmem:$0x18100] =	vst v63  }
0x109: {  	v3 =	vadd.s32 v1, v3  }
0x10a: {  	[tilespmem:s28], [sflag:$0x1] =	stream.indirect_vreg.gather [hbm4b:s4+s3], $0x80, v4, vm0, $0xb8;
	[tilespmem:$0x18100] =	vst v63  }
0x10b: {  	_ = 	snop  }
0x10c: {  	[tilespmem:s29], [sflag:$0x1] =	stream.indirect_vreg.gather [hbm4b:s5+s3], $0x80, v4, vm0, $0xb8;
	[tilespmem:$0x18100] =	vst v63  }
0x10d: {  	_ = 	snop  }
0x10e: {  	[tilespmem:s30], [sflag:$0x1] =	stream.indirect_vreg.gather [hbm4b:s2+s3], $0x80, v3, vm0, $0xb8;
	[tilespmem:$0x18100] =	vst v63  }
0x10f: {  	_ = 	snop  }
0x110: {  	[tilespmem:s31], [sflag:$0x1] =	stream.indirect_vreg.gather [hbm4b:s4+s3], $0x80, v3, vm0, $0xb8;
	[tilespmem:$0x18100] =	vst v63  }
0x111: {  	s14 =	simm.s32 $0x8900  }
0x112: {  	[tilespmem:s14], [sflag:$0x1] =	stream.indirect_vreg.gather [hbm4b:s5+s3], $0x80, v3, vm0, $0xb8;
	[tilespmem:$0x18100] =	vst v63  }
0x113: {  	v3 =	vld [tilespmem:$0xB0];
	_ =	sdelay $0x4  }
0x114: {  	v59 =	vshrl.u32 v3, $0x3  }
0x115: {  	v4 =	vmul.u32 $0x30, v59  }
0x116: {  	v3 =	vand.u32 $0x7, v3  }
0x117: {  	v3 =	vor.u32 v3, v4  }
0x118: {  	v4 =	vperm.xlane v3, v0;
	_ =	sdelay $0x1  }
0x119: {  	v4 =	vadd.s32 v1, v4;
	_ =	sdelay $0x3  }
0x11a: {  	v3 =	vperm.xlane v3, v2  }
0x11b: {  	[tilespmem:s7], [sflag:$0x1] =	stream.indirect_vreg.gather [hbm4b:s2+s3], $0x80, v4, vm0, $0xb8;
	[tilespmem:$0x18100] =	vst v63  }
0x11c: {  	v3 =	vadd.s32 v1, v3  }
0x11d: {  	[tilespmem:s9], [sflag:$0x1] =	stream.indirect_vreg.gather [hbm4b:s4+s3], $0x80, v4, vm0, $0xb8;
	[tilespmem:$0x18100] =	vst v63  }
0x11e: {  	_ = 	snop  }
0x11f: {  	[tilespmem:s11], [sflag:$0x1] =	stream.indirect_vreg.gather [hbm4b:s5+s3], $0x80, v4, vm0, $0xb8;
	[tilespmem:$0x18100] =	vst v63  }
0x120: {  	s15 =	simm.s32 $0xA900  }
0x121: {  	[tilespmem:s15], [sflag:$0x1] =	stream.indirect_vreg.gather [hbm4b:s2+s3], $0x80, v3, vm0, $0xb8;
	[tilespmem:$0x18100] =	vst v63  }
0x122: {  	s9 =	simm.s32 $0xB100  }
0x123: {  	[tilespmem:s9], [sflag:$0x1] =	stream.indirect_vreg.gather [hbm4b:s4+s3], $0x80, v3, vm0, $0xb8;
	[tilespmem:$0x18100] =	vst v63  }
0x124: {  	s13 =	simm.s32 $0xB900;
	s7 =	simm.s32 $0x2  }
0x125: {  	[tilespmem:s13], [sflag:$0x1] =	stream.indirect_vreg.gather [hbm4b:s5+s3], $0x80, v3, vm0, $0xb8;
	[tilespmem:$0x18100] =	vst v63  }
0x126: {  	_ =	swait.ge [sflag:s7], $0xC000  }
0x127: {  	[sflag:s7] =	ssyncset.done $0x0  }
0x128: {  	s14 =	rddreg [dreg:$0x8];
	[sflag:s7] =	ssyncadd.s32 $0xFFFF4000  }
0x129: {  	[hbm4b:s14+s3] =	stream.linear.scatter [tilespmem:s1], [sflag:$0x4], $0xC000, $0x38;
	[tilespmem:$0x18100] =	vst v63  }
0x12a: {  	s15 =	rddreg [dreg:$0x9]  }
0x12b: {  	[hbm4b:s15+s3] =	stream.linear.scatter [tilespmem:s1], [sflag:$0x4], $0xC000, $0x38;
	[tilespmem:$0x18100] =	vst v63  }
0x12c: {  	s9 =	rddreg [dreg:$0xa]  }
0x12d: {  	[hbm4b:s9+s3] =	stream.linear.scatter [tilespmem:s1], [sflag:$0x4], $0xC000, $0x38;
	[tilespmem:$0x18100] =	vst v63  }
0x12e: {  	_ =	swait.ge [sflag:s12], $0xC000  }
0x12f: {  	[sflag:s12] =	ssyncset.done $0x0  }
0x130: {  	[sflag:s12] =	ssyncadd.s32 $0xFFFF4000  }
0x131: {  	_ =	swait.ge [sflag:s12], $0xC000  }
0x132: {  	[sflag:s12] =	ssyncset.done $0x0  }
0x133: {  	[sflag:s12] =	ssyncadd.s32 $0xFFFF4000  }
0x134: {  	_ =	swait.ge [sflag:s12], $0xC000  }
0x135: {  	[sflag:s12] =	ssyncset.done $0x0  }
0x136: {  	[sflag:s12] =	ssyncadd.s32 $0xFFFF4000  }
0x137: {  	v3 =	vld [tilespmem:$0xC0];
	_ =	sdelay $0x4  }
0x138: {  	v60 =	vshrl.u32 v3, $0x3  }
0x139: {  	v4 =	vmul.u32 $0x30, v60  }
0x13a: {  	v3 =	vand.u32 $0x7, v3  }
0x13b: {  	v3 =	vor.u32 v3, v4  }
0x13c: {  	v4 =	vperm.xlane v3, v0;
	_ =	sdelay $0x1  }
0x13d: {  	v4 =	vadd.s32 v1, v4;
	_ =	sdelay $0x3  }
0x13e: {  	v3 =	vperm.xlane v3, v2  }
0x13f: {  	[tilespmem:s1], [sflag:$0x2] =	stream.indirect_vreg.gather [hbm4b:s2+s3], $0x80, v4, vm0, $0xb8;
	[tilespmem:$0x18100] =	vst v63  }
0x140: {  	s13 =	simm.s32 $0xC900;
	v3 =	vadd.s32 v1, v3  }
0x141: {  	[tilespmem:s13], [sflag:$0x2] =	stream.indirect_vreg.gather [hbm4b:s4+s3], $0x80, v4, vm0, $0xb8;
	[tilespmem:$0x18100] =	vst v63  }
0x142: {  	s14 =	simm.s32 $0xD100  }
0x143: {  	[tilespmem:s14], [sflag:$0x2] =	stream.indirect_vreg.gather [hbm4b:s5+s3], $0x80, v4, vm0, $0xb8;
	[tilespmem:$0x18100] =	vst v63  }
0x144: {  	s15 =	simm.s32 $0xD900  }
0x145: {  	[tilespmem:s15], [sflag:$0x2] =	stream.indirect_vreg.gather [hbm4b:s2+s3], $0x80, v3, vm0, $0xb8;
	[tilespmem:$0x18100] =	vst v63  }
0x146: {  	s13 =	simm.s32 $0xE100  }
0x147: {  	[tilespmem:s13], [sflag:$0x2] =	stream.indirect_vreg.gather [hbm4b:s4+s3], $0x80, v3, vm0, $0xb8;
	[tilespmem:$0x18100] =	vst v63  }
0x148: {  	s14 =	simm.s32 $0xE900  }
0x149: {  	[tilespmem:s14], [sflag:$0x2] =	stream.indirect_vreg.gather [hbm4b:s5+s3], $0x80, v3, vm0, $0xb8;
	[tilespmem:$0x18100] =	vst v63  }
0x14a: {  	v3 =	vld [tilespmem:$0xD0];
	_ =	sdelay $0x4  }
0x14b: {  	v61 =	vshrl.u32 v3, $0x3  }
0x14c: {  	v4 =	vmul.u32 $0x30, v61  }
0x14d: {  	v3 =	vand.u32 $0x7, v3  }
0x14e: {  	v3 =	vor.u32 v3, v4  }
0x14f: {  	v4 =	vperm.xlane v3, v0;
	_ =	sdelay $0x1  }
0x150: {  	v4 =	vadd.s32 v1, v4;
	_ =	sdelay $0x3  }
0x151: {  	s15 =	simm.s32 $0xF100;
	v3 =	vperm.xlane v3, v2  }
0x152: {  	[tilespmem:s15], [sflag:$0x2] =	stream.indirect_vreg.gather [hbm4b:s2+s3], $0x80, v4, vm0, $0xb8;
	[tilespmem:$0x18100] =	vst v63  }
0x153: {  	s13 =	simm.s32 $0xF900;
	v3 =	vadd.s32 v1, v3  }
0x154: {  	[tilespmem:s13], [sflag:$0x2] =	stream.indirect_vreg.gather [hbm4b:s4+s3], $0x80, v4, vm0, $0xb8;
	[tilespmem:$0x18100] =	vst v63  }
0x155: {  	s14 =	simm.s32 $0x10100  }
0x156: {  	[tilespmem:s14], [sflag:$0x2] =	stream.indirect_vreg.gather [hbm4b:s5+s3], $0x80, v4, vm0, $0xb8;
	[tilespmem:$0x18100] =	vst v63  }
0x157: {  	s15 =	simm.s32 $0x10900  }
0x158: {  	[tilespmem:s15], [sflag:$0x2] =	stream.indirect_vreg.gather [hbm4b:s2+s3], $0x80, v3, vm0, $0xb8;
	[tilespmem:$0x18100] =	vst v63  }
0x159: {  	s13 =	simm.s32 $0x11100  }
0x15a: {  	[tilespmem:s13], [sflag:$0x2] =	stream.indirect_vreg.gather [hbm4b:s4+s3], $0x80, v3, vm0, $0xb8;
	[tilespmem:$0x18100] =	vst v63  }
0x15b: {  	s14 =	simm.s32 $0x11900  }
0x15c: {  	[tilespmem:s14], [sflag:$0x2] =	stream.indirect_vreg.gather [hbm4b:s5+s3], $0x80, v3, vm0, $0xb8;
	[tilespmem:$0x18100] =	vst v63  }
0x15d: {  	v3 =	vld [tilespmem:$0xE0];
	_ =	sdelay $0x4  }
0x15e: {  	v62 =	vshrl.u32 v3, $0x3  }
0x15f: {  	v4 =	vmul.u32 $0x30, v62  }
0x160: {  	v3 =	vand.u32 $0x7, v3  }
0x161: {  	v3 =	vor.u32 v3, v4  }
0x162: {  	v4 =	vperm.xlane v3, v0;
	_ =	sdelay $0x1  }
0x163: {  	v4 =	vadd.s32 v1, v4;
	_ =	sdelay $0x3  }
0x164: {  	s15 =	simm.s32 $0x12100;
	v3 =	vperm.xlane v3, v2  }
0x165: {  	[tilespmem:s15], [sflag:$0x2] =	stream.indirect_vreg.gather [hbm4b:s2+s3], $0x80, v4, vm0, $0xb8;
	[tilespmem:$0x18100] =	vst v63  }
0x166: {  	s13 =	simm.s32 $0x12900;
	v3 =	vadd.s32 v1, v3  }
0x167: {  	[tilespmem:s13], [sflag:$0x2] =	stream.indirect_vreg.gather [hbm4b:s4+s3], $0x80, v4, vm0, $0xb8;
	[tilespmem:$0x18100] =	vst v63  }
0x168: {  	s14 =	simm.s32 $0x13100  }
0x169: {  	[tilespmem:s14], [sflag:$0x2] =	stream.indirect_vreg.gather [hbm4b:s5+s3], $0x80, v4, vm0, $0xb8;
	[tilespmem:$0x18100] =	vst v63  }
0x16a: {  	s15 =	simm.s32 $0x13900  }
0x16b: {  	[tilespmem:s15], [sflag:$0x2] =	stream.indirect_vreg.gather [hbm4b:s2+s3], $0x80, v3, vm0, $0xb8;
	[tilespmem:$0x18100] =	vst v63  }
0x16c: {  	s13 =	simm.s32 $0x14100  }
0x16d: {  	[tilespmem:s13], [sflag:$0x2] =	stream.indirect_vreg.gather [hbm4b:s4+s3], $0x80, v3, vm0, $0xb8;
	[tilespmem:$0x18100] =	vst v63  }
0x16e: {  	s14 =	simm.s32 $0x14900  }
0x16f: {  	[tilespmem:s14], [sflag:$0x2] =	stream.indirect_vreg.gather [hbm4b:s5+s3], $0x80, v3, vm0, $0xb8;
	[tilespmem:$0x18100] =	vst v63  }
0x170: {  	v3 =	vld [tilespmem:$0xF0];
	_ =	sdelay $0x4  }
0x171: {  	v63 =	vshrl.u32 v3, $0x3  }
0x172: {  	v4 =	vmul.u32 $0x30, v63  }
0x173: {  	v3 =	vand.u32 $0x7, v3  }
0x174: {  	v3 =	vor.u32 v3, v4  }
0x175: {  	v4 =	vperm.xlane v3, v0;
	_ =	sdelay $0x1  }
0x176: {  	v4 =	vadd.s32 v1, v4;
	_ =	sdelay $0x3  }
0x177: {  	s15 =	simm.s32 $0x15100;
	v3 =	vperm.xlane v3, v2  }
0x178: {  	[tilespmem:s15], [sflag:$0x2] =	stream.indirect_vreg.gather [hbm4b:s2+s3], $0x80, v4, vm0, $0xb8;
	[tilespmem:$0x18100] =	vst v63  }
0x179: {  	s13 =	simm.s32 $0x15900;
	v3 =	vadd.s32 v1, v3  }
0x17a: {  	[tilespmem:s13], [sflag:$0x2] =	stream.indirect_vreg.gather [hbm4b:s4+s3], $0x80, v4, vm0, $0xb8;
	[tilespmem:$0x18100] =	vst v63  }
0x17b: {  	s14 =	simm.s32 $0x16100  }
0x17c: {  	[tilespmem:s14], [sflag:$0x2] =	stream.indirect_vreg.gather [hbm4b:s5+s3], $0x80, v4, vm0, $0xb8;
	[tilespmem:$0x18100] =	vst v63  }
0x17d: {  	s15 =	simm.s32 $0x16900  }
0x17e: {  	[tilespmem:s15], [sflag:$0x2] =	stream.indirect_vreg.gather [hbm4b:s2+s3], $0x80, v3, vm0, $0xb8;
	[tilespmem:$0x18100] =	vst v63  }
0x17f: {  	s13 =	simm.s32 $0x17100  }
0x180: {  	[tilespmem:s13], [sflag:$0x2] =	stream.indirect_vreg.gather [hbm4b:s4+s3], $0x80, v3, vm0, $0xb8;
	[tilespmem:$0x18100] =	vst v63  }
0x181: {  	s14 =	simm.s32 $0x17900  }
0x182: {  	[tilespmem:s14], [sflag:$0x2] =	stream.indirect_vreg.gather [hbm4b:s5+s3], $0x80, v3, vm0, $0xb8;
	[tilespmem:$0x18100] =	vst v63  }
0x183: {  	_ =	swait.ge [sflag:s0], $0xC000  }
0x184: {  	[sflag:s0] =	ssyncset.done $0x0  }
0x185: {  	s15 =	rddreg [dreg:$0xb];
	[sflag:s0] =	ssyncadd.s32 $0xFFFF4000  }
0x186: {  	[hbm4b:s15+s3] =	stream.linear.scatter [tilespmem:s8], [sflag:$0x3], $0xC000, $0x38;
	[tilespmem:$0x18100] =	vst v63  }
0x187: {  	s9 =	rddreg [dreg:$0xc]  }
0x188: {  	[hbm4b:s9+s3] =	stream.linear.scatter [tilespmem:s8], [sflag:$0x3], $0xC000, $0x38;
	[tilespmem:$0x18100] =	vst v63  }
0x189: {  	s15 =	rddreg [dreg:$0xd]  }
0x18a: {  	[hbm4b:s15+s3] =	stream.linear.scatter [tilespmem:s8], [sflag:$0x3], $0xC000, $0x38;
	[tilespmem:$0x18100] =	vst v63  }
0x18b: {  	_ =	swait.ge [sflag:s7], $0xC000  }
0x18c: {  	[sflag:s7] =	ssyncset.done $0x0  }
0x18d: {  	s0 =	rddreg [dreg:$0xe];
	[sflag:s7] =	ssyncadd.s32 $0xFFFF4000  }
0x18e: {  	[hbm4b:s0+s3] =	stream.linear.scatter [tilespmem:s1], [sflag:$0x4], $0xC000, $0x38;
	[tilespmem:$0x18100] =	vst v63  }
0x18f: {  	s9 =	rddreg [dreg:$0xf]  }
0x190: {  	[hbm4b:s9+s3] =	stream.linear.scatter [tilespmem:s1], [sflag:$0x4], $0xC000, $0x38;
	[tilespmem:$0x18100] =	vst v63  }
0x191: {  	s15 =	rddreg [dreg:$0x10]  }
0x192: {  	[hbm4b:s15+s3] =	stream.linear.scatter [tilespmem:s1], [sflag:$0x4], $0xC000, $0x38;
	[tilespmem:$0x18100] =	vst v63  }
0x193: {  	_ =	swait.ge [sflag:s10], $0xC000  }
0x194: {  	[sflag:s10] =	ssyncset.done $0x0  }
0x195: {  	[sflag:s10] =	ssyncadd.s32 $0xFFFF4000  }
0x196: {  	_ =	swait.ge [sflag:s10], $0xC000  }
0x197: {  	[sflag:s10] =	ssyncset.done $0x0  }
0x198: {  	[sflag:s10] =	ssyncadd.s32 $0xFFFF4000  }
0x199: {  	_ =	swait.ge [sflag:s10], $0xC000  }
0x19a: {  	[sflag:s10] =	ssyncset.done $0x0  }
0x19b: {  	[sflag:s10] =	ssyncadd.s32 $0xFFFF4000  }
0x19c: {  	_ =	swait.ge [sflag:s12], $0xC000  }
0x19d: {  	[sflag:s12] =	ssyncset.done $0x0  }
0x19e: {  	[sflag:s12] =	ssyncadd.s32 $0xFFFF4000  }
0x19f: {  	p0 =	sne.s32 s6, $0x1;
	_ =	swait.ge [sflag:s12], $0xC000  }
.Ltmp0:
0x1a0: {  	[sflag:s12] =	ssyncset.done $0x0;
	(pc) =	sbr.rel @p0 .LBB2_1-.Ltmp0, $4  }
0x1a1: {  	[sflag:s12] =	ssyncadd.s32 $0xFFFF4000  }
0x1a2: {  	_ =	swait.ge [sflag:s12], $0xC000  }
0x1a3: {  	[sflag:s12] =	ssyncset.done $0x0  }
0x1a4: {  	s6 =	sadd.s32 $0xFFFFFFFF, s6;
	[sflag:s12] =	ssyncadd.s32 $0xFFFF4000  }
0x1a5: {  	_ =	sfence.sel $0x180000  }
0x1a6: {  	[bflag:$0x0] =	sbarrier.arrive $0xFFFF  }
0x1a7: {  	_ =	strace $0x90000047  }
0x1a8: {  	s0 =	stileid.u32;
	[bflag:$0x2] =	sbarrier.arrive $0xFFFF  }
0x1a9: {  	p0 =	sne.s32 s0, $0x0;
	s0 =	rddreg [dreg:$0x3]  }
0x1aa: {  	s0 =	sadd.s32 @!p0 $0x100000, s0  }
0x1ab: {  	[sflag:s0] =	ssyncadd.tile.s32 @!p0 $0x1;
	_ =	shalt  }
.Lfunc_end2:
_tile_overlayer_lowered:
.L_overlay_start_2:
0x1ac: {  	(tag) =	ssettag $0x2  }
0x1ad: {  	s0 =	rddreg [dreg:$0x0];
	s2 =	stileid.u32  }
0x1ae: {  	s1 =	rddreg [dreg:$0x1];
	p0 =	sne.s32 s2, $0x0  }
0x1af: {  	s3 =	rddreg [dreg:$0x2];
	[bflag:$0x3] =	sbarrier.arrive $0xFFFF;
	s2 =	simm.s32 @!p0 $0x1C05  }
0x1b0: {  	[timem:s3], [sflag:s2] =	dma.local @!p0 [hbm:s0], s1  }
0x1b1: {  	s0 =	simm.s32 @!p0 $0x5  }
0x1b2: {  	_ =	swait.ge @!p0 [sflag:s0], s1  }
0x1b3: {  	s1 =	ssub.s32 @!p0 $0x0, s1;
	[sflag:s0] =	ssyncset.done @!p0 $0x0  }
0x1b4: {  	[sflag:s0] =	ssyncadd.s32 @!p0 s1  }
0x1b5: {  	[bflag:$0x3] =	sbarrier.arrive $0xFFFF  }
0x1b6: {  	_ =	shalt  }

</sc_bundles>
